<compile_context>
chip_gen: v7x
topology: tpu7x:2x2x1
jax: 0.10.2.dev20260603
libtpu: 0.0.44.dev20260713+nightly
codegen_flags: <defaults>
</compile_context>

<pallas_src>
import functools

import jax
import jax.numpy as jnp
from jax import lax
from jax.experimental import pallas as pl
from jax.experimental.pallas import tpu as pltpu
from jax.experimental.pallas import tpu_sc as plsc

N = 10000
D = 256
H = 256
E = 160000

NP = 10240
EP = 163840
TRASH = NP - 1
NTILES = 16
TB = EP // NTILES
B = 128
NB = TB // B
NBH = NB // 2
SLAB = NP // NTILES
BLK = 512


def _sc_mesh():
    return plsc.VectorSubcoreMesh(core_axis_name="c", subcore_axis_name="s")


def _deg_kernel(dst_hbm, ones_hbm, zslab_hbm, deg_out, dst_v, ones_v, acc,
                ss0, ss1, ss2, ss3):
    c = lax.axis_index("c")
    s = lax.axis_index("s")
    pltpu.sync_copy(dst_hbm.at[s, pl.ds(c * NBH, NBH)], dst_v)
    pltpu.sync_copy(ones_hbm, ones_v)
    pltpu.sync_copy(zslab_hbm, acc.at[pl.ds(s * SLAB, SLAB)])
    plsc.subcore_barrier()

    def body(j, carry):
        pltpu.sync_copy(ones_v, acc.at[dst_v.at[j]], add=True)
        return carry

    lax.fori_loop(0, NBH, body, 0)
    plsc.subcore_barrier()
    pltpu.sync_copy(acc.at[pl.ds(s * SLAB, SLAB)],
                    deg_out.at[c, pl.ds(s * SLAB, SLAB)])


def _run_deg(dst_tiles, ones128, zslab128):
    f = functools.partial(
        pl.kernel,
        out_type=jax.ShapeDtypeStruct((2, NP, 128), jnp.float32),
        mesh=_sc_mesh(),
        scratch_types=[
            pltpu.VMEM((NBH, B), jnp.int32),
            pltpu.VMEM((B, 128), jnp.float32),
            pltpu.VMEM_SHARED((NP, 128), jnp.float32),
            pltpu.SemaphoreType.DMA,
            pltpu.SemaphoreType.DMA,
            pltpu.SemaphoreType.DMA,
            pltpu.SemaphoreType.DMA,
        ],
    )(_deg_kernel)
    return f(dst_tiles, ones128, zslab128)


def _scatter_kernel(srco_hbm, src_hbm, dst_hbm, gflat_hbm, dinv_hbm,
                    zslab_hbm, s_out, u_out,
                    src_v, dst_v, r0, r1, acc, g0s, g1s, s0s, s1s):
    c = lax.axis_index("c")
    s = lax.axis_index("s")
    pltpu.sync_copy(zslab_hbm, acc.at[pl.ds(s * SLAB, SLAB)])
    plsc.subcore_barrier()

    for half in range(2):
        pltpu.sync_copy(srco_hbm.at[c, s, pl.ds(half * NBH, NBH)], src_v)
        pltpu.sync_copy(dst_hbm.at[s, pl.ds(half * NBH, NBH)], dst_v)

        pltpu.async_copy(gflat_hbm.at[src_v.at[0]], r0, g0s)
        pltpu.async_copy(gflat_hbm.at[src_v.at[1]], r1, g1s)

        def body(gi, carry):
            base = gi * 2
            pltpu.make_async_copy(gflat_hbm.at[src_v.at[base]], r0,
                                  g0s).wait()
            w0 = pltpu.async_copy(r0, acc.at[dst_v.at[base]], s0s, add=True)
            pltpu.make_async_copy(gflat_hbm.at[src_v.at[base + 1]], r1,
                                  g1s).wait()
            w0.wait()
            w1 = pltpu.async_copy(r1, acc.at[dst_v.at[base + 1]], s1s,
                                  add=True)

            @pl.when(base + 2 < NBH)
            def _():
                pltpu.async_copy(gflat_hbm.at[src_v.at[base + 2]], r0, g0s)

            w1.wait()

            @pl.when(base + 3 < NBH)
            def _():
                pltpu.async_copy(gflat_hbm.at[src_v.at[base + 3]], r1, g1s)

            return carry

        lax.fori_loop(0, NBH // 2, body, 0)

    plsc.subcore_barrier()
    pltpu.sync_copy(acc.at[pl.ds(s * SLAB, SLAB)],
                    s_out.at[c, pl.ds(s * SLAB, SLAB)])
    pltpu.sync_copy(zslab_hbm, acc.at[pl.ds(s * SLAB, SLAB)])
    plsc.subcore_barrier()

    pltpu.sync_copy(src_hbm.at[s, pl.ds(c * NBH, NBH)], src_v)
    pltpu.sync_copy(dst_hbm.at[s, pl.ds(c * NBH, NBH)], dst_v)

    pltpu.async_copy(dinv_hbm.at[dst_v.at[0]], r0, g0s)
    pltpu.async_copy(dinv_hbm.at[dst_v.at[1]], r1, g1s)

    def ubody(gi, carry):
        base = gi * 2
        pltpu.make_async_copy(dinv_hbm.at[dst_v.at[base]], r0, g0s).wait()
        w0 = pltpu.async_copy(r0, acc.at[src_v.at[base]], s0s, add=True)
        pltpu.make_async_copy(dinv_hbm.at[dst_v.at[base + 1]], r1,
                              g1s).wait()
        w0.wait()
        w1 = pltpu.async_copy(r1, acc.at[src_v.at[base + 1]], s1s,
                              add=True)

        @pl.when(base + 2 < NBH)
        def _():
            pltpu.async_copy(dinv_hbm.at[dst_v.at[base + 2]], r0, g0s)

        w1.wait()

        @pl.when(base + 3 < NBH)
        def _():
            pltpu.async_copy(dinv_hbm.at[dst_v.at[base + 3]], r1, g1s)

        return carry

    lax.fori_loop(0, NBH // 2, ubody, 0)
    plsc.subcore_barrier()
    pltpu.sync_copy(acc.at[pl.ds(s * SLAB, SLAB)],
                    u_out.at[c, pl.ds(s * SLAB, SLAB)])


def _run_scatter(src_tiles2, src_tiles, dst_tiles, gflat, dinv128,
                 zslab128):
    f = functools.partial(
        pl.kernel,
        out_type=(jax.ShapeDtypeStruct((2, NP, 128), jnp.float32),
                  jax.ShapeDtypeStruct((2, NP, 128), jnp.float32)),
        mesh=_sc_mesh(),
        scratch_types=[
            pltpu.VMEM((NBH, B), jnp.int32),
            pltpu.VMEM((NBH, B), jnp.int32),
            pltpu.VMEM((B, 128), jnp.float32),
            pltpu.VMEM((B, 128), jnp.float32),
            pltpu.VMEM_SHARED((NP, 128), jnp.float32),
        ] + [pltpu.SemaphoreType.DMA] * 4,
    )(_scatter_kernel)
    return f(src_tiles2, src_tiles, dst_tiles, gflat, dinv128, zslab128)


def _mm_scale_kernel(x_ref, w1_ref, d0_ref, d1_ref, g_ref, dinv_ref):
    i = pl.program_id(0)
    h = jnp.dot(x_ref[...], w1_ref[...], preferred_element_type=jnp.float32)
    rows = lax.broadcasted_iota(jnp.int32, (BLK, 1), 0) + i * BLK
    deg = d0_ref[:, 0:1] + d1_ref[:, 0:1] + jnp.where(rows < N, 1.0, 0.0)
    dinv = jnp.where(deg > 0, lax.rsqrt(deg), 0.0)
    g = h * dinv
    g_ref[0] = g[:, :128]
    g_ref[1] = g[:, 128:]
    dinv_ref[...] = jnp.broadcast_to(dinv, (BLK, 128))


def _run_mm_scale(x_pad, w1, deg_parts):
    return pl.pallas_call(
        _mm_scale_kernel,
        grid=(NP // BLK,),
        in_specs=[
            pl.BlockSpec((BLK, D), lambda i: (i, 0)),
            pl.BlockSpec((D, H), lambda i: (0, 0)),
            pl.BlockSpec((BLK, 128), lambda i: (i, 0)),
            pl.BlockSpec((BLK, 128), lambda i: (i, 0)),
        ],
        out_specs=[
            pl.BlockSpec((2, BLK, 128), lambda i: (0, i, 0)),
            pl.BlockSpec((BLK, 128), lambda i: (i, 0)),
        ],
        out_shape=[jax.ShapeDtypeStruct((2, NP, 128), jnp.float32),
                   jax.ShapeDtypeStruct((NP, 128), jnp.float32)],
    )(x_pad, w1, deg_parts[0], deg_parts[1])


def _final_kernel(s0_ref, s1_ref, g0_ref, g1_ref, d0_ref, d1_ref,
                  u0_ref, u1_ref, b1_ref, w2_ref, b2_ref, y_ref, zacc):
    i = pl.program_id(0)

    @pl.when(i == 0)
    def _():
        zacc[...] = jnp.zeros_like(zacc)

    rows = lax.broadcasted_iota(jnp.int32, (BLK, 1), 0) + i * BLK
    valid = jnp.where(rows < N, 1.0, 0.0)
    deg = d0_ref[:, 0:1] + d1_ref[:, 0:1] + valid
    dinv = jnp.where(deg > 0, lax.rsqrt(deg), 0.0)
    u = u0_ref[:, 0:1] + u1_ref[:, 0:1]
    w = dinv * (u + dinv) * valid
    s_full = jnp.concatenate([s0_ref[...], s1_ref[...]], axis=1)
    g_full = jnp.concatenate([g0_ref[...], g1_ref[...]], axis=1)
    o = dinv * (s_full + g_full) + b1_ref[...]
    a = jnp.where(o > 0, o, jnp.exp(o) - 1.0)
    zacc[...] += jnp.sum(a * w, axis=0, keepdims=True)

    @pl.when(i == pl.num_programs(0) - 1)
    def _():
        y_ref[...] = (jnp.dot(zacc[...], w2_ref[...],
                              preferred_element_type=jnp.float32) * (1.0 / N)
                      + b2_ref[...])


def _run_final(s_halves, g0, g1, deg_parts, u_parts, b1r, w2, b2r):
    return pl.pallas_call(
        _final_kernel,
        grid=(NP // BLK,),
        in_specs=[
            pl.BlockSpec((BLK, 128), lambda i: (i, 0)),
            pl.BlockSpec((BLK, 128), lambda i: (i, 0)),
            pl.BlockSpec((BLK, 128), lambda i: (i, 0)),
            pl.BlockSpec((BLK, 128), lambda i: (i, 0)),
            pl.BlockSpec((BLK, 128), lambda i: (i, 0)),
            pl.BlockSpec((BLK, 128), lambda i: (i, 0)),
            pl.BlockSpec((BLK, 128), lambda i: (i, 0)),
            pl.BlockSpec((BLK, 128), lambda i: (i, 0)),
            pl.BlockSpec((1, H), lambda i: (0, 0)),
            pl.BlockSpec((H, H), lambda i: (0, 0)),
            pl.BlockSpec((1, H), lambda i: (0, 0)),
        ],
        out_specs=pl.BlockSpec((1, H), lambda i: (0, 0)),
        out_shape=jax.ShapeDtypeStruct((1, H), jnp.float32),
        scratch_shapes=[pltpu.VMEM((1, H), jnp.float32)],
        compiler_params=pltpu.CompilerParams(
            dimension_semantics=("arbitrary",)),
    )(s_halves[0], s_halves[1], g0, g1, deg_parts[0], deg_parts[1],
      u_parts[0], u_parts[1], b1r, w2, b2r)


def kernel(x, edge_index, W1, b1, W2, b2):
    f32 = jnp.float32
    x_pad = jnp.concatenate([x, jnp.zeros((NP - N, D), f32)], axis=0)
    src = edge_index[0]
    dst = edge_index[1]
    pad = jnp.full((EP - E,), TRASH, jnp.int32)
    src_tiles = jnp.concatenate([src, pad]).reshape(NTILES, NB, B)
    dst_tiles = jnp.concatenate([dst, pad]).reshape(NTILES, NB, B)

    ones128 = jnp.ones((B, 128), f32)
    zslab128 = jnp.zeros((SLAB, 128), f32)

    src_tiles2 = jnp.stack([src_tiles, src_tiles + NP])

    deg_parts = _run_deg(dst_tiles, ones128, zslab128)
    g_all, dinv128 = _run_mm_scale(x_pad, W1, deg_parts)
    gflat = g_all.reshape(2 * NP, 128)
    s_halves, u_parts = _run_scatter(src_tiles2, src_tiles, dst_tiles,
                                     gflat, dinv128, zslab128)
    y = _run_final(s_halves, g_all[0], g_all[1], deg_parts, u_parts,
                   b1.reshape(1, H), W2, b2.reshape(1, H))
    return y

# --- scband reference (transcript-rebuilt; emitter-appended) ---
"""Pipeline reference for scband-feature-extractor-77403900609152 (READ-ONLY COPY).

The authoritative reference and input builder live on the scoring server;
editing this copy changes nothing except your own understanding.
"""

import jax, jax.numpy as jnp
import numpy as np

N = 10000
E = 160000
D = 256
H = 256


def setup_inputs(seed: int = 0) -> dict:
    key = jax.random.key(seed)
    k1, k2, k3, k4 = jax.random.split(key, 4)
    x = jax.random.normal(k1, (N, D), dtype=jnp.float32)
    edge_index = jax.random.randint(k2, (2, E), 0, N, dtype=jnp.int32)
    W1 = jax.random.normal(k3, (D, H), dtype=jnp.float32) * (1.0 / np.sqrt(D))
    b1 = jnp.zeros((H,), dtype=jnp.float32)
    W2 = jax.random.normal(k4, (H, H), dtype=jnp.float32) * (1.0 / np.sqrt(H))
    b2 = jnp.zeros((H,), dtype=jnp.float32)
    return {"x": x, "edge_index": edge_index, "W1": W1, "b1": b1, "W2": W2, "b2": b2}


def _gcn_conv(x, edge_index, W, b):
    num_nodes = x.shape[0]
    src = edge_index[0]
    dst = edge_index[1]
    loop = jnp.arange(num_nodes, dtype=src.dtype)
    src = jnp.concatenate([src, loop])
    dst = jnp.concatenate([dst, loop])
    # linear transform first (as in PyG GCNConv)
    h = x @ W
    # symmetric normalization D^{-1/2} (A + I) D^{-1/2}
    ones = jnp.ones(dst.shape[0], dtype=x.dtype)
    deg = jax.ops.segment_sum(ones, dst, num_segments=num_nodes)
    dinv = jnp.where(deg > 0, 1.0 / jnp.sqrt(deg), 0.0)
    norm = dinv[src] * dinv[dst]
    msg = h[src] * norm[:, None]
    out = jax.ops.segment_sum(msg, dst, num_segments=num_nodes)
    return out + b


def reference(x, edge_index, W1, b1, W2, b2):
    h = _gcn_conv(x, edge_index, W1, b1)
    h = jax.nn.elu(h)
    h = _gcn_conv(h, edge_index, W2, b2)
    # batch is None -> global mean pool over all nodes (single graph)
    y = jnp.mean(h, axis=0, keepdims=True)
    return y

if __name__ == "__main__":
    import jax
    _d = setup_inputs()
    print(jax.jit(kernel)(*tuple(_d.values())))

</pallas_src>

<mosaic_0001>
#map = affine_map<(d0, d1) -> (0, 0, 0)>
#map1 = affine_map<(d0, d1) -> (0, 0)>
module attributes {stable_mosaic.version = 14 : i64} {
  func.func @_deg_kernel(%arg0: i32, %arg1: i32, %arg2: memref<16x80x128xi32, #tpu.memory_space<hbm>>, %arg3: memref<128x128xf32, #tpu.memory_space<hbm>>, %arg4: memref<640x128xf32, #tpu.memory_space<hbm>>, %arg5: memref<2x10240x128xf32, #tpu.memory_space<hbm>>, %arg6: memref<40x128xi32, #tpu.memory_space<vmem>>, %arg7: memref<128x128xf32, #tpu.memory_space<vmem>>, %arg8: memref<10240x128xf32, #tpu.memory_space<vmem_shared>>, %arg9: memref<!tpu.dma_semaphore, #tpu.memory_space<semaphore_mem>>, %arg10: memref<!tpu.dma_semaphore, #tpu.memory_space<semaphore_mem>>, %arg11: memref<!tpu.dma_semaphore, #tpu.memory_space<semaphore_mem>>, %arg12: memref<!tpu.dma_semaphore, #tpu.memory_space<semaphore_mem>>) attributes {dimension_semantics = [#tpu.dimension_semantics<core_parallel>, #tpu.dimension_semantics<subcore_parallel>], iteration_bounds = array<i64: 2, 16>, scalar_prefetch = 0 : i64, scratch_operands = 7 : i64, tpu.core_type = #tpu.core_type<sc_vector_subcore>, window_params = [{transform_indices = #map}, {transform_indices = #map1}, {transform_indices = #map1}, {transform_indices = #map}]} {
    %mul3A = arith.constant 40 : i32
    %mul3A_0 = arith.muli %arg0, %mul3A : i32
    "tpu.region"() ({
      %run_scoped3A = tpu.sem_alloc : memref<!tpu.dma_semaphore, #tpu.memory_space<semaphore_mem>>
      %dma_start3A = arith.constant 0 : i32
      %dma_start3A_13 = tpu.memref_slice %arg2[%arg1, %mul3A_0, %dma_start3A] : memref<16x80x128xi32, #tpu.memory_space<hbm>> -> memref<1x40x128xi32, #tpu.memory_space<hbm>>
      %dma_start3A_14 = tpu.memref_squeeze %dma_start3A_13 : memref<1x40x128xi32, #tpu.memory_space<hbm>> -> memref<40x128xi32, #tpu.memory_space<hbm>>
      %dma_start3A_15 = arith.constant 0 : i32
      %dma_start3A_16 = tpu.memref_slice %arg2[%arg1, %mul3A_0, %dma_start3A_15] : memref<16x80x128xi32, #tpu.memory_space<hbm>> -> memref<1x40x128xi32, #tpu.memory_space<hbm>>
      %dma_start3A_17 = tpu.memref_squeeze %dma_start3A_16 : memref<1x40x128xi32, #tpu.memory_space<hbm>> -> memref<40x128xi32, #tpu.memory_space<hbm>>
      tpu.enqueue_dma source(%dma_start3A_17 : memref<40x128xi32, #tpu.memory_space<hbm>>) target(%arg6 : memref<40x128xi32, #tpu.memory_space<vmem>>) target_semaphore(%run_scoped3A : memref<!tpu.dma_semaphore, #tpu.memory_space<semaphore_mem>>)
      %dma_wait3A = arith.constant 0 : i32
      %dma_wait3A_18 = tpu.memref_slice %arg2[%arg1, %mul3A_0, %dma_wait3A] : memref<16x80x128xi32, #tpu.memory_space<hbm>> -> memref<1x40x128xi32, #tpu.memory_space<hbm>>
      %dma_wait3A_19 = tpu.memref_squeeze %dma_wait3A_18 : memref<1x40x128xi32, #tpu.memory_space<hbm>> -> memref<40x128xi32, #tpu.memory_space<hbm>>
      %dma_wait3A_20 = arith.constant 0 : i32
      %dma_wait3A_21 = tpu.memref_slice %arg2[%arg1, %mul3A_0, %dma_wait3A_20] : memref<16x80x128xi32, #tpu.memory_space<hbm>> -> memref<1x40x128xi32, #tpu.memory_space<hbm>>
      %dma_wait3A_22 = tpu.memref_squeeze %dma_wait3A_21 : memref<1x40x128xi32, #tpu.memory_space<hbm>> -> memref<40x128xi32, #tpu.memory_space<hbm>>
      tpu.wait_dma2 semaphore(%run_scoped3A : memref<!tpu.dma_semaphore, #tpu.memory_space<semaphore_mem>>) src(%dma_wait3A_22 : memref<40x128xi32, #tpu.memory_space<hbm>>) dst(%arg6 : memref<40x128xi32, #tpu.memory_space<vmem>>)
      tpu.yield
    }) : () -> ()
    "tpu.region"() ({
      %run_scoped3A = tpu.sem_alloc : memref<!tpu.dma_semaphore, #tpu.memory_space<semaphore_mem>>
      tpu.enqueue_dma source(%arg3 : memref<128x128xf32, #tpu.memory_space<hbm>>) target(%arg7 : memref<128x128xf32, #tpu.memory_space<vmem>>) target_semaphore(%run_scoped3A : memref<!tpu.dma_semaphore, #tpu.memory_space<semaphore_mem>>)
      tpu.wait_dma2 semaphore(%run_scoped3A : memref<!tpu.dma_semaphore, #tpu.memory_space<semaphore_mem>>) src(%arg3 : memref<128x128xf32, #tpu.memory_space<hbm>>) dst(%arg7 : memref<128x128xf32, #tpu.memory_space<vmem>>)
      tpu.yield
    }) : () -> ()
    %mul3A_1 = arith.constant 640 : i32
    %mul3A_2 = arith.muli %arg1, %mul3A_1 : i32
    "tpu.region"() ({
      %run_scoped3A = tpu.sem_alloc : memref<!tpu.dma_semaphore, #tpu.memory_space<semaphore_mem>>
      %dma_start3A = arith.constant 0 : i32
      %dma_start3A_13 = tpu.memref_slice %arg8[%mul3A_2, %dma_start3A] : memref<10240x128xf32, #tpu.memory_space<vmem_shared>> -> memref<640x128xf32, #tpu.memory_space<vmem_shared>>
      tpu.enqueue_dma source(%arg4 : memref<640x128xf32, #tpu.memory_space<hbm>>) target(%dma_start3A_13 : memref<640x128xf32, #tpu.memory_space<vmem_shared>>) target_semaphore(%run_scoped3A : memref<!tpu.dma_semaphore, #tpu.memory_space<semaphore_mem>>)
      %dma_wait3A = arith.constant 0 : i32
      %dma_wait3A_14 = tpu.memref_slice %arg8[%mul3A_2, %dma_wait3A] : memref<10240x128xf32, #tpu.memory_space<vmem_shared>> -> memref<640x128xf32, #tpu.memory_space<vmem_shared>>
      tpu.wait_dma2 semaphore(%run_scoped3A : memref<!tpu.dma_semaphore, #tpu.memory_space<semaphore_mem>>) src(%arg4 : memref<640x128xf32, #tpu.memory_space<hbm>>) dst(%dma_wait3A_14 : memref<640x128xf32, #tpu.memory_space<vmem_shared>>)
      tpu.yield
    }) : () -> ()
    %barrier3A = arith.constant 0 : index
    tpu.barrier barrier_id(%barrier3A)
    %scan3A = arith.constant 0 : i32
    %scan3A_3 = arith.constant 0 : i32
    %scan3A_4 = arith.constant 40 : i32
    %scan3A_5 = arith.addi %scan3A_3, %scan3A_4 : i32
    %scan3A_6 = arith.constant 1 : i32
    scf.for %scan3A_13 = %scan3A_3 to %scan3A_5 step %scan3A_6  : i32 {
      "tpu.region"() ({
        %run_scoped3A = tpu.sem_alloc : memref<!tpu.dma_semaphore, #tpu.memory_space<semaphore_mem>>
        %dma_start3A = arith.constant 0 : i32
        %dma_start3A_14 = tpu.memref_slice %arg6[%scan3A_13, %dma_start3A] : memref<40x128xi32, #tpu.memory_space<vmem>> -> memref<1x128xi32, #tpu.memory_space<vmem>>
        %dma_start3A_15 = tpu.memref_squeeze %dma_start3A_14 : memref<1x128xi32, #tpu.memory_space<vmem>> -> memref<128xi32, #tpu.memory_space<vmem>>
        %dma_start3A_16 = arith.constant 0 : i32
        %dma_start3A_17 = arith.constant 0 : i32
        %dma_start3A_18 = tpu.memref_slice %arg8[%dma_start3A_16, %dma_start3A_17] : memref<10240x128xf32, #tpu.memory_space<vmem_shared>> -> memref<10240x128xf32, #tpu.memory_space<vmem_shared>>
        tpu.enqueue_indirect_dma source(%arg7 : memref<128x128xf32, #tpu.memory_space<vmem>>) target(%dma_start3A_18 : memref<10240x128xf32, #tpu.memory_space<vmem_shared>>) offsets(%dma_start3A_15 : memref<128xi32, #tpu.memory_space<vmem>>) semaphore(%run_scoped3A : memref<!tpu.dma_semaphore, #tpu.memory_space<semaphore_mem>>) {add = true}
        %dma_wait3A = arith.constant 0 : i32
        %dma_wait3A_19 = tpu.memref_slice %arg6[%scan3A_13, %dma_wait3A] : memref<40x128xi32, #tpu.memory_space<vmem>> -> memref<1x128xi32, #tpu.memory_space<vmem>>
        %dma_wait3A_20 = tpu.memref_squeeze %dma_wait3A_19 : memref<1x128xi32, #tpu.memory_space<vmem>> -> memref<128xi32, #tpu.memory_space<vmem>>
        %dma_wait3A_21 = arith.constant 0 : i32
        %dma_wait3A_22 = arith.constant 0 : i32
        %dma_wait3A_23 = tpu.memref_slice %arg8[%dma_wait3A_21, %dma_wait3A_22] : memref<10240x128xf32, #tpu.memory_space<vmem_shared>> -> memref<10240x128xf32, #tpu.memory_space<vmem_shared>>
        tpu.wait_indirect_dma semaphore(%run_scoped3A : memref<!tpu.dma_semaphore, #tpu.memory_space<semaphore_mem>>) src(%arg7 : memref<128x128xf32, #tpu.memory_space<vmem>>) dst(%dma_wait3A_23 : memref<10240x128xf32, #tpu.memory_space<vmem_shared>>)
        tpu.yield
      }) : () -> ()
    }
    %scan3A_7 = arith.constant 40 : i32
    %barrier3A_8 = arith.constant 0 : index
    tpu.barrier barrier_id(%barrier3A_8)
    %mul3A_9 = arith.constant 640 : i32
    %mul3A_10 = arith.muli %arg1, %mul3A_9 : i32
    %mul3A_11 = arith.constant 640 : i32
    %mul3A_12 = arith.muli %arg1, %mul3A_11 : i32
    "tpu.region"() ({
      %run_scoped3A = tpu.sem_alloc : memref<!tpu.dma_semaphore, #tpu.memory_space<semaphore_mem>>
      %dma_start3A = arith.constant 0 : i32
      %dma_start3A_13 = tpu.memref_slice %arg5[%arg0, %mul3A_12, %dma_start3A] : memref<2x10240x128xf32, #tpu.memory_space<hbm>> -> memref<1x640x128xf32, #tpu.memory_space<hbm>>
      %dma_start3A_14 = tpu.memref_squeeze %dma_start3A_13 : memref<1x640x128xf32, #tpu.memory_space<hbm>> -> memref<640x128xf32, #tpu.memory_space<hbm>>
      %dma_start3A_15 = arith.constant 0 : i32
      %dma_start3A_16 = tpu.memref_slice %arg8[%mul3A_10, %dma_start3A_15] : memref<10240x128xf32, #tpu.memory_space<vmem_shared>> -> memref<640x128xf32, #tpu.memory_space<vmem_shared>>
      tpu.enqueue_dma source(%dma_start3A_16 : memref<640x128xf32, #tpu.memory_space<vmem_shared>>) target(%dma_start3A_14 : memref<640x128xf32, #tpu.memory_space<hbm>>) target_semaphore(%run_scoped3A : memref<!tpu.dma_semaphore, #tpu.memory_space<semaphore_mem>>)
      %dma_wait3A = arith.constant 0 : i32
      %dma_wait3A_17 = tpu.memref_slice %arg5[%arg0, %mul3A_12, %dma_wait3A] : memref<2x10240x128xf32, #tpu.memory_space<hbm>> -> memref<1x640x128xf32, #tpu.memory_space<hbm>>
      %dma_wait3A_18 = tpu.memref_squeeze %dma_wait3A_17 : memref<1x640x128xf32, #tpu.memory_space<hbm>> -> memref<640x128xf32, #tpu.memory_space<hbm>>
      %dma_wait3A_19 = arith.constant 0 : i32
      %dma_wait3A_20 = tpu.memref_slice %arg8[%mul3A_10, %dma_wait3A_19] : memref<10240x128xf32, #tpu.memory_space<vmem_shared>> -> memref<640x128xf32, #tpu.memory_space<vmem_shared>>
      tpu.wait_dma2 semaphore(%run_scoped3A : memref<!tpu.dma_semaphore, #tpu.memory_space<semaphore_mem>>) src(%dma_wait3A_20 : memref<640x128xf32, #tpu.memory_space<vmem_shared>>) dst(%dma_wait3A_18 : memref<640x128xf32, #tpu.memory_space<hbm>>)
      tpu.yield
    }) : () -> ()
    return
  }
}

#map = affine_map<(d0, d1) -> (0, 0, 0, 0)>
#map1 = affine_map<(d0, d1) -> (0, 0, 0)>
#map2 = affine_map<(d0, d1) -> (0, 0)>
module attributes {stable_mosaic.version = 14 : i64} {
  func.func @_scatter_kernel(%arg0: i32, %arg1: i32, %arg2: memref<2x16x80x128xi32, #tpu.memory_space<hbm>>, %arg3: memref<16x80x128xi32, #tpu.memory_space<hbm>>, %arg4: memref<16x80x128xi32, #tpu.memory_space<hbm>>, %arg5: memref<20480x128xf32, #tpu.memory_space<hbm>>, %arg6: memref<10240x128xf32, #tpu.memory_space<hbm>>, %arg7: memref<640x128xf32, #tpu.memory_space<hbm>>, %arg8: memref<2x10240x128xf32, #tpu.memory_space<hbm>>, %arg9: memref<2x10240x128xf32, #tpu.memory_space<hbm>>, %arg10: memref<40x128xi32, #tpu.memory_space<vmem>>, %arg11: memref<40x128xi32, #tpu.memory_space<vmem>>, %arg12: memref<128x128xf32, #tpu.memory_space<vmem>>, %arg13: memref<128x128xf32, #tpu.memory_space<vmem>>, %arg14: memref<10240x128xf32, #tpu.memory_space<vmem_shared>>, %arg15: memref<!tpu.dma_semaphore, #tpu.memory_space<semaphore_mem>>, %arg16: memref<!tpu.dma_semaphore, #tpu.memory_space<semaphore_mem>>, %arg17: memref<!tpu.dma_semaphore, #tpu.memory_space<semaphore_mem>>, %arg18: memref<!tpu.dma_semaphore, #tpu.memory_space<semaphore_mem>>) attributes {dimension_semantics = [#tpu.dimension_semantics<core_parallel>, #tpu.dimension_semantics<subcore_parallel>], iteration_bounds = array<i64: 2, 16>, scalar_prefetch = 0 : i64, scratch_operands = 9 : i64, tpu.core_type = #tpu.core_type<sc_vector_subcore>, window_params = [{transform_indices = #map}, {transform_indices = #map1}, {transform_indices = #map1}, {transform_indices = #map2}, {transform_indices = #map2}, {transform_indices = #map2}, {transform_indices = #map1}, {transform_indices = #map1}]} {
    %mul3A = arith.constant 640 : i32
    %mul3A_0 = arith.muli %arg1, %mul3A : i32
    "tpu.region"() ({
      %run_scoped3A = tpu.sem_alloc : memref<!tpu.dma_semaphore, #tpu.memory_space<semaphore_mem>>
      %dma_start3A_76 = arith.constant 0 : i32
      %dma_start3A_77 = tpu.memref_slice %arg14[%mul3A_0, %dma_start3A_76] : memref<10240x128xf32, #tpu.memory_space<vmem_shared>> -> memref<640x128xf32, #tpu.memory_space<vmem_shared>>
      tpu.enqueue_dma source(%arg7 : memref<640x128xf32, #tpu.memory_space<hbm>>) target(%dma_start3A_77 : memref<640x128xf32, #tpu.memory_space<vmem_shared>>) target_semaphore(%run_scoped3A : memref<!tpu.dma_semaphore, #tpu.memory_space<semaphore_mem>>)
      %dma_wait3A = arith.constant 0 : i32
      %dma_wait3A_78 = tpu.memref_slice %arg14[%mul3A_0, %dma_wait3A] : memref<10240x128xf32, #tpu.memory_space<vmem_shared>> -> memref<640x128xf32, #tpu.memory_space<vmem_shared>>
      tpu.wait_dma2 semaphore(%run_scoped3A : memref<!tpu.dma_semaphore, #tpu.memory_space<semaphore_mem>>) src(%arg7 : memref<640x128xf32, #tpu.memory_space<hbm>>) dst(%dma_wait3A_78 : memref<640x128xf32, #tpu.memory_space<vmem_shared>>)
      tpu.yield
    }) : () -> ()
    %barrier3A = arith.constant 0 : index
    tpu.barrier barrier_id(%barrier3A)
    "tpu.region"() ({
      %run_scoped3A = tpu.sem_alloc : memref<!tpu.dma_semaphore, #tpu.memory_space<semaphore_mem>>
      %dma_start3A_76 = arith.constant 0 : i32
      %dma_start3A_77 = arith.constant 0 : i32
      %dma_start3A_78 = tpu.memref_slice %arg2[%arg0, %arg1, %dma_start3A_76, %dma_start3A_77] : memref<2x16x80x128xi32, #tpu.memory_space<hbm>> -> memref<1x1x40x128xi32, #tpu.memory_space<hbm>>
      %dma_start3A_79 = tpu.memref_squeeze %dma_start3A_78 : memref<1x1x40x128xi32, #tpu.memory_space<hbm>> -> memref<40x128xi32, #tpu.memory_space<hbm>>
      %dma_start3A_80 = arith.constant 0 : i32
      %dma_start3A_81 = arith.constant 0 : i32
      %dma_start3A_82 = tpu.memref_slice %arg2[%arg0, %arg1, %dma_start3A_80, %dma_start3A_81] : memref<2x16x80x128xi32, #tpu.memory_space<hbm>> -> memref<1x1x40x128xi32, #tpu.memory_space<hbm>>
      %dma_start3A_83 = tpu.memref_squeeze %dma_start3A_82 : memref<1x1x40x128xi32, #tpu.memory_space<hbm>> -> memref<40x128xi32, #tpu.memory_space<hbm>>
      tpu.enqueue_dma source(%dma_start3A_83 : memref<40x128xi32, #tpu.memory_space<hbm>>) target(%arg10 : memref<40x128xi32, #tpu.memory_space<vmem>>) target_semaphore(%run_scoped3A : memref<!tpu.dma_semaphore, #tpu.memory_space<semaphore_mem>>)
      %dma_wait3A = arith.constant 0 : i32
      %dma_wait3A_84 = arith.constant 0 : i32
      %dma_wait3A_85 = tpu.memref_slice %arg2[%arg0, %arg1, %dma_wait3A, %dma_wait3A_84] : memref<2x16x80x128xi32, #tpu.memory_space<hbm>> -> memref<1x1x40x128xi32, #tpu.memory_space<hbm>>
      %dma_wait3A_86 = tpu.memref_squeeze %dma_wait3A_85 : memref<1x1x40x128xi32, #tpu.memory_space<hbm>> -> memref<40x128xi32, #tpu.memory_space<hbm>>
      %dma_wait3A_87 = arith.constant 0 : i32
      %dma_wait3A_88 = arith.constant 0 : i32
      %dma_wait3A_89 = tpu.memref_slice %arg2[%arg0, %arg1, %dma_wait3A_87, %dma_wait3A_88] : memref<2x16x80x128xi32, #tpu.memory_space<hbm>> -> memref<1x1x40x128xi32, #tpu.memory_space<hbm>>
      %dma_wait3A_90 = tpu.memref_squeeze %dma_wait3A_89 : memref<1x1x40x128xi32, #tpu.memory_space<hbm>> -> memref<40x128xi32, #tpu.memory_space<hbm>>
      tpu.wait_dma2 semaphore(%run_scoped3A : memref<!tpu.dma_semaphore, #tpu.memory_space<semaphore_mem>>) src(%dma_wait3A_90 : memref<40x128xi32, #tpu.memory_space<hbm>>) dst(%arg10 : memref<40x128xi32, #tpu.memory_space<vmem>>)
      tpu.yield
    }) : () -> ()
    "tpu.region"() ({
      %run_scoped3A = tpu.sem_alloc : memref<!tpu.dma_semaphore, #tpu.memory_space<semaphore_mem>>
      %dma_start3A_76 = arith.constant 0 : i32
      %dma_start3A_77 = arith.constant 0 : i32
      %dma_start3A_78 = tpu.memref_slice %arg4[%arg1, %dma_start3A_76, %dma_start3A_77] : memref<16x80x128xi32, #tpu.memory_space<hbm>> -> memref<1x40x128xi32, #tpu.memory_space<hbm>>
      %dma_start3A_79 = tpu.memref_squeeze %dma_start3A_78 : memref<1x40x128xi32, #tpu.memory_space<hbm>> -> memref<40x128xi32, #tpu.memory_space<hbm>>
      %dma_start3A_80 = arith.constant 0 : i32
      %dma_start3A_81 = arith.constant 0 : i32
      %dma_start3A_82 = tpu.memref_slice %arg4[%arg1, %dma_start3A_80, %dma_start3A_81] : memref<16x80x128xi32, #tpu.memory_space<hbm>> -> memref<1x40x128xi32, #tpu.memory_space<hbm>>
      %dma_start3A_83 = tpu.memref_squeeze %dma_start3A_82 : memref<1x40x128xi32, #tpu.memory_space<hbm>> -> memref<40x128xi32, #tpu.memory_space<hbm>>
      tpu.enqueue_dma source(%dma_start3A_83 : memref<40x128xi32, #tpu.memory_space<hbm>>) target(%arg11 : memref<40x128xi32, #tpu.memory_space<vmem>>) target_semaphore(%run_scoped3A : memref<!tpu.dma_semaphore, #tpu.memory_space<semaphore_mem>>)
      %dma_wait3A = arith.constant 0 : i32
      %dma_wait3A_84 = arith.constant 0 : i32
      %dma_wait3A_85 = tpu.memref_slice %arg4[%arg1, %dma_wait3A, %dma_wait3A_84] : memref<16x80x128xi32, #tpu.memory_space<hbm>> -> memref<1x40x128xi32, #tpu.memory_space<hbm>>
      %dma_wait3A_86 = tpu.memref_squeeze %dma_wait3A_85 : memref<1x40x128xi32, #tpu.memory_space<hbm>> -> memref<40x128xi32, #tpu.memory_space<hbm>>
      %dma_wait3A_87 = arith.constant 0 : i32
      %dma_wait3A_88 = arith.constant 0 : i32
      %dma_wait3A_89 = tpu.memref_slice %arg4[%arg1, %dma_wait3A_87, %dma_wait3A_88] : memref<16x80x128xi32, #tpu.memory_space<hbm>> -> memref<1x40x128xi32, #tpu.memory_space<hbm>>
      %dma_wait3A_90 = tpu.memref_squeeze %dma_wait3A_89 : memref<1x40x128xi32, #tpu.memory_space<hbm>> -> memref<40x128xi32, #tpu.memory_space<hbm>>
      tpu.wait_dma2 semaphore(%run_scoped3A : memref<!tpu.dma_semaphore, #tpu.memory_space<semaphore_mem>>) src(%dma_wait3A_90 : memref<40x128xi32, #tpu.memory_space<hbm>>) dst(%arg11 : memref<40x128xi32, #tpu.memory_space<vmem>>)
      tpu.yield
    }) : () -> ()
    %dma_start3A = arith.constant 0 : i32
    %dma_start3A_1 = arith.constant 0 : i32
    %dma_start3A_2 = tpu.memref_slice %arg10[%dma_start3A, %dma_start3A_1] : memref<40x128xi32, #tpu.memory_space<vmem>> -> memref<1x128xi32, #tpu.memory_space<vmem>>
    %dma_start3A_3 = tpu.memref_squeeze %dma_start3A_2 : memref<1x128xi32, #tpu.memory_space<vmem>> -> memref<128xi32, #tpu.memory_space<vmem>>
    %dma_start3A_4 = arith.constant 0 : i32
    %dma_start3A_5 = arith.constant 0 : i32
    %dma_start3A_6 = tpu.memref_slice %arg5[%dma_start3A_4, %dma_start3A_5] : memref<20480x128xf32, #tpu.memory_space<hbm>> -> memref<20480x128xf32, #tpu.memory_space<hbm>>
    tpu.enqueue_indirect_dma source(%dma_start3A_6 : memref<20480x128xf32, #tpu.memory_space<hbm>>) target(%arg12 : memref<128x128xf32, #tpu.memory_space<vmem>>) offsets(%dma_start3A_3 : memref<128xi32, #tpu.memory_space<vmem>>) semaphore(%arg15 : memref<!tpu.dma_semaphore, #tpu.memory_space<semaphore_mem>>)
    %dma_start3A_7 = arith.constant 1 : i32
    %dma_start3A_8 = arith.constant 0 : i32
    %dma_start3A_9 = tpu.memref_slice %arg10[%dma_start3A_7, %dma_start3A_8] : memref<40x128xi32, #tpu.memory_space<vmem>> -> memref<1x128xi32, #tpu.memory_space<vmem>>
    %dma_start3A_10 = tpu.memref_squeeze %dma_start3A_9 : memref<1x128xi32, #tpu.memory_space<vmem>> -> memref<128xi32, #tpu.memory_space<vmem>>
    %dma_start3A_11 = arith.constant 0 : i32
    %dma_start3A_12 = arith.constant 0 : i32
    %dma_start3A_13 = tpu.memref_slice %arg5[%dma_start3A_11, %dma_start3A_12] : memref<20480x128xf32, #tpu.memory_space<hbm>> -> memref<20480x128xf32, #tpu.memory_space<hbm>>
    tpu.enqueue_indirect_dma source(%dma_start3A_13 : memref<20480x128xf32, #tpu.memory_space<hbm>>) target(%arg13 : memref<128x128xf32, #tpu.memory_space<vmem>>) offsets(%dma_start3A_10 : memref<128xi32, #tpu.memory_space<vmem>>) semaphore(%arg16 : memref<!tpu.dma_semaphore, #tpu.memory_space<semaphore_mem>>)
    %scan3A = arith.constant 0 : i32
    %scan3A_14 = arith.constant 0 : i32
    %scan3A_15 = arith.constant 20 : i32
    %scan3A_16 = arith.addi %scan3A_14, %scan3A_15 : i32
    %scan3A_17 = arith.constant 1 : i32
    scf.for %scan3A_76 = %scan3A_14 to %scan3A_16 step %scan3A_17  : i32 {
      %mul3A_77 = arith.constant 2 : i32
      %mul3A_78 = arith.muli %scan3A_76, %mul3A_77 : i32
      %dma_wait3A = arith.constant 0 : i32
      %dma_wait3A_79 = tpu.memref_slice %arg10[%mul3A_78, %dma_wait3A] : memref<40x128xi32, #tpu.memory_space<vmem>> -> memref<1x128xi32, #tpu.memory_space<vmem>>
      %dma_wait3A_80 = tpu.memref_squeeze %dma_wait3A_79 : memref<1x128xi32, #tpu.memory_space<vmem>> -> memref<128xi32, #tpu.memory_space<vmem>>
      %dma_wait3A_81 = arith.constant 0 : i32
      %dma_wait3A_82 = arith.constant 0 : i32
      %dma_wait3A_83 = tpu.memref_slice %arg5[%dma_wait3A_81, %dma_wait3A_82] : memref<20480x128xf32, #tpu.memory_space<hbm>> -> memref<20480x128xf32, #tpu.memory_space<hbm>>
      tpu.wait_indirect_dma semaphore(%arg15 : memref<!tpu.dma_semaphore, #tpu.memory_space<semaphore_mem>>) src(%dma_wait3A_83 : memref<20480x128xf32, #tpu.memory_space<hbm>>) dst(%arg12 : memref<128x128xf32, #tpu.memory_space<vmem>>)
      %dma_start3A_84 = arith.constant 0 : i32
      %dma_start3A_85 = tpu.memref_slice %arg11[%mul3A_78, %dma_start3A_84] : memref<40x128xi32, #tpu.memory_space<vmem>> -> memref<1x128xi32, #tpu.memory_space<vmem>>
      %dma_start3A_86 = tpu.memref_squeeze %dma_start3A_85 : memref<1x128xi32, #tpu.memory_space<vmem>> -> memref<128xi32, #tpu.memory_space<vmem>>
      %dma_start3A_87 = arith.constant 0 : i32
      %dma_start3A_88 = arith.constant 0 : i32
      %dma_start3A_89 = tpu.memref_slice %arg14[%dma_start3A_87, %dma_start3A_88] : memref<10240x128xf32, #tpu.memory_space<vmem_shared>> -> memref<10240x128xf32, #tpu.memory_space<vmem_shared>>
      tpu.enqueue_indirect_dma source(%arg12 : memref<128x128xf32, #tpu.memory_space<vmem>>) target(%dma_start3A_89 : memref<10240x128xf32, #tpu.memory_space<vmem_shared>>) offsets(%dma_start3A_86 : memref<128xi32, #tpu.memory_space<vmem>>) semaphore(%arg17 : memref<!tpu.dma_semaphore, #tpu.memory_space<semaphore_mem>>) {add = true}
      %add3A = arith.constant 1 : i32
      %add3A_90 = arith.addi %mul3A_78, %add3A : i32
      %dma_wait3A_91 = arith.constant 0 : i32
      %dma_wait3A_92 = tpu.memref_slice %arg10[%add3A_90, %dma_wait3A_91] : memref<40x128xi32, #tpu.memory_space<vmem>> -> memref<1x128xi32, #tpu.memory_space<vmem>>
      %dma_wait3A_93 = tpu.memref_squeeze %dma_wait3A_92 : memref<1x128xi32, #tpu.memory_space<vmem>> -> memref<128xi32, #tpu.memory_space<vmem>>
      %dma_wait3A_94 = arith.constant 0 : i32
      %dma_wait3A_95 = arith.constant 0 : i32
      %dma_wait3A_96 = tpu.memref_slice %arg5[%dma_wait3A_94, %dma_wait3A_95] : memref<20480x128xf32, #tpu.memory_space<hbm>> -> memref<20480x128xf32, #tpu.memory_space<hbm>>
      tpu.wait_indirect_dma semaphore(%arg16 : memref<!tpu.dma_semaphore, #tpu.memory_space<semaphore_mem>>) src(%dma_wait3A_96 : memref<20480x128xf32, #tpu.memory_space<hbm>>) dst(%arg13 : memref<128x128xf32, #tpu.memory_space<vmem>>)
      %dma_wait3A_97 = arith.constant 0 : i32
      %dma_wait3A_98 = tpu.memref_slice %arg11[%mul3A_78, %dma_wait3A_97] : memref<40x128xi32, #tpu.memory_space<vmem>> -> memref<1x128xi32, #tpu.memory_space<vmem>>
      %dma_wait3A_99 = tpu.memref_squeeze %dma_wait3A_98 : memref<1x128xi32, #tpu.memory_space<vmem>> -> memref<128xi32, #tpu.memory_space<vmem>>
      %dma_wait3A_100 = arith.constant 0 : i32
      %dma_wait3A_101 = arith.constant 0 : i32
      %dma_wait3A_102 = tpu.memref_slice %arg14[%dma_wait3A_100, %dma_wait3A_101] : memref<10240x128xf32, #tpu.memory_space<vmem_shared>> -> memref<10240x128xf32, #tpu.memory_space<vmem_shared>>
      tpu.wait_indirect_dma semaphore(%arg17 : memref<!tpu.dma_semaphore, #tpu.memory_space<semaphore_mem>>) src(%arg12 : memref<128x128xf32, #tpu.memory_space<vmem>>) dst(%dma_wait3A_102 : memref<10240x128xf32, #tpu.memory_space<vmem_shared>>)
      %add3A_103 = arith.constant 1 : i32
      %add3A_104 = arith.addi %mul3A_78, %add3A_103 : i32
      %dma_start3A_105 = arith.constant 0 : i32
      %dma_start3A_106 = tpu.memref_slice %arg11[%add3A_104, %dma_start3A_105] : memref<40x128xi32, #tpu.memory_space<vmem>> -> memref<1x128xi32, #tpu.memory_space<vmem>>
      %dma_start3A_107 = tpu.memref_squeeze %dma_start3A_106 : memref<1x128xi32, #tpu.memory_space<vmem>> -> memref<128xi32, #tpu.memory_space<vmem>>
      %dma_start3A_108 = arith.constant 0 : i32
      %dma_start3A_109 = arith.constant 0 : i32
      %dma_start3A_110 = tpu.memref_slice %arg14[%dma_start3A_108, %dma_start3A_109] : memref<10240x128xf32, #tpu.memory_space<vmem_shared>> -> memref<10240x128xf32, #tpu.memory_space<vmem_shared>>
      tpu.enqueue_indirect_dma source(%arg13 : memref<128x128xf32, #tpu.memory_space<vmem>>) target(%dma_start3A_110 : memref<10240x128xf32, #tpu.memory_space<vmem_shared>>) offsets(%dma_start3A_107 : memref<128xi32, #tpu.memory_space<vmem>>) semaphore(%arg18 : memref<!tpu.dma_semaphore, #tpu.memory_space<semaphore_mem>>) {add = true}
      %add3A_111 = arith.constant 2 : i32
      %add3A_112 = arith.addi %mul3A_78, %add3A_111 : i32
      %lt3A = arith.constant 40 : i32
      %lt3A_113 = arith.cmpi slt, %add3A_112, %lt3A : i32
      %convert_element_type3A = arith.extui %lt3A_113 : i1 to i32
      %cond3A = arith.constant 0 : i32
      %cond3A_114 = arith.cmpi ne, %convert_element_type3A, %cond3A : i32
      scf.if %cond3A_114 {
        %add3A_128 = arith.constant 2 : i32
        %add3A_129 = arith.addi %mul3A_78, %add3A_128 : i32
        %dma_start3A_130 = arith.constant 0 : i32
        %dma_start3A_131 = tpu.memref_slice %arg10[%add3A_129, %dma_start3A_130] : memref<40x128xi32, #tpu.memory_space<vmem>> -> memref<1x128xi32, #tpu.memory_space<vmem>>
        %dma_start3A_132 = tpu.memref_squeeze %dma_start3A_131 : memref<1x128xi32, #tpu.memory_space<vmem>> -> memref<128xi32, #tpu.memory_space<vmem>>
        %dma_start3A_133 = arith.constant 0 : i32
        %dma_start3A_134 = arith.constant 0 : i32
        %dma_start3A_135 = tpu.memref_slice %arg5[%dma_start3A_133, %dma_start3A_134] : memref<20480x128xf32, #tpu.memory_space<hbm>> -> memref<20480x128xf32, #tpu.memory_space<hbm>>
        tpu.enqueue_indirect_dma source(%dma_start3A_135 : memref<20480x128xf32, #tpu.memory_space<hbm>>) target(%arg12 : memref<128x128xf32, #tpu.memory_space<vmem>>) offsets(%dma_start3A_132 : memref<128xi32, #tpu.memory_space<vmem>>) semaphore(%arg15 : memref<!tpu.dma_semaphore, #tpu.memory_space<semaphore_mem>>)
      } else {
      }
      %dma_wait3A_115 = arith.constant 0 : i32
      %dma_wait3A_116 = tpu.memref_slice %arg11[%add3A_104, %dma_wait3A_115] : memref<40x128xi32, #tpu.memory_space<vmem>> -> memref<1x128xi32, #tpu.memory_space<vmem>>
      %dma_wait3A_117 = tpu.memref_squeeze %dma_wait3A_116 : memref<1x128xi32, #tpu.memory_space<vmem>> -> memref<128xi32, #tpu.memory_space<vmem>>
      %dma_wait3A_118 = arith.constant 0 : i32
      %dma_wait3A_119 = arith.constant 0 : i32
      %dma_wait3A_120 = tpu.memref_slice %arg14[%dma_wait3A_118, %dma_wait3A_119] : memref<10240x128xf32, #tpu.memory_space<vmem_shared>> -> memref<10240x128xf32, #tpu.memory_space<vmem_shared>>
      tpu.wait_indirect_dma semaphore(%arg18 : memref<!tpu.dma_semaphore, #tpu.memory_space<semaphore_mem>>) src(%arg13 : memref<128x128xf32, #tpu.memory_space<vmem>>) dst(%dma_wait3A_120 : memref<10240x128xf32, #tpu.memory_space<vmem_shared>>)
      %add3A_121 = arith.constant 3 : i32
      %add3A_122 = arith.addi %mul3A_78, %add3A_121 : i32
      %lt3A_123 = arith.constant 40 : i32
      %lt3A_124 = arith.cmpi slt, %add3A_122, %lt3A_123 : i32
      %convert_element_type3A_125 = arith.extui %lt3A_124 : i1 to i32
      %cond3A_126 = arith.constant 0 : i32
      %cond3A_127 = arith.cmpi ne, %convert_element_type3A_125, %cond3A_126 : i32
      scf.if %cond3A_127 {
        %add3A_128 = arith.constant 3 : i32
        %add3A_129 = arith.addi %mul3A_78, %add3A_128 : i32
        %dma_start3A_130 = arith.constant 0 : i32
        %dma_start3A_131 = tpu.memref_slice %arg10[%add3A_129, %dma_start3A_130] : memref<40x128xi32, #tpu.memory_space<vmem>> -> memref<1x128xi32, #tpu.memory_space<vmem>>
        %dma_start3A_132 = tpu.memref_squeeze %dma_start3A_131 : memref<1x128xi32, #tpu.memory_space<vmem>> -> memref<128xi32, #tpu.memory_space<vmem>>
        %dma_start3A_133 = arith.constant 0 : i32
        %dma_start3A_134 = arith.constant 0 : i32
        %dma_start3A_135 = tpu.memref_slice %arg5[%dma_start3A_133, %dma_start3A_134] : memref<20480x128xf32, #tpu.memory_space<hbm>> -> memref<20480x128xf32, #tpu.memory_space<hbm>>
        tpu.enqueue_indirect_dma source(%dma_start3A_135 : memref<20480x128xf32, #tpu.memory_space<hbm>>) target(%arg13 : memref<128x128xf32, #tpu.memory_space<vmem>>) offsets(%dma_start3A_132 : memref<128xi32, #tpu.memory_space<vmem>>) semaphore(%arg16 : memref<!tpu.dma_semaphore, #tpu.memory_space<semaphore_mem>>)
      } else {
      }
    }
    %scan3A_18 = arith.constant 20 : i32
    "tpu.region"() ({
      %run_scoped3A = tpu.sem_alloc : memref<!tpu.dma_semaphore, #tpu.memory_space<semaphore_mem>>
      %dma_start3A_76 = arith.constant 40 : i32
      %dma_start3A_77 = arith.constant 0 : i32
      %dma_start3A_78 = tpu.memref_slice %arg2[%arg0, %arg1, %dma_start3A_76, %dma_start3A_77] : memref<2x16x80x128xi32, #tpu.memory_space<hbm>> -> memref<1x1x40x128xi32, #tpu.memory_space<hbm>>
      %dma_start3A_79 = tpu.memref_squeeze %dma_start3A_78 : memref<1x1x40x128xi32, #tpu.memory_space<hbm>> -> memref<40x128xi32, #tpu.memory_space<hbm>>
      %dma_start3A_80 = arith.constant 40 : i32
      %dma_start3A_81 = arith.constant 0 : i32
      %dma_start3A_82 = tpu.memref_slice %arg2[%arg0, %arg1, %dma_start3A_80, %dma_start3A_81] : memref<2x16x80x128xi32, #tpu.memory_space<hbm>> -> memref<1x1x40x128xi32, #tpu.memory_space<hbm>>
      %dma_start3A_83 = tpu.memref_squeeze %dma_start3A_82 : memref<1x1x40x128xi32, #tpu.memory_space<hbm>> -> memref<40x128xi32, #tpu.memory_space<hbm>>
      tpu.enqueue_dma source(%dma_start3A_83 : memref<40x128xi32, #tpu.memory_space<hbm>>) target(%arg10 : memref<40x128xi32, #tpu.memory_space<vmem>>) target_semaphore(%run_scoped3A : memref<!tpu.dma_semaphore, #tpu.memory_space<semaphore_mem>>)
      %dma_wait3A = arith.constant 40 : i32
      %dma_wait3A_84 = arith.constant 0 : i32
      %dma_wait3A_85 = tpu.memref_slice %arg2[%arg0, %arg1, %dma_wait3A, %dma_wait3A_84] : memref<2x16x80x128xi32, #tpu.memory_space<hbm>> -> memref<1x1x40x128xi32, #tpu.memory_space<hbm>>
      %dma_wait3A_86 = tpu.memref_squeeze %dma_wait3A_85 : memref<1x1x40x128xi32, #tpu.memory_space<hbm>> -> memref<40x128xi32, #tpu.memory_space<hbm>>
      %dma_wait3A_87 = arith.constant 40 : i32
      %dma_wait3A_88 = arith.constant 0 : i32
      %dma_wait3A_89 = tpu.memref_slice %arg2[%arg0, %arg1, %dma_wait3A_87, %dma_wait3A_88] : memref<2x16x80x128xi32, #tpu.memory_space<hbm>> -> memref<1x1x40x128xi32, #tpu.memory_space<hbm>>
      %dma_wait3A_90 = tpu.memref_squeeze %dma_wait3A_89 : memref<1x1x40x128xi32, #tpu.memory_space<hbm>> -> memref<40x128xi32, #tpu.memory_space<hbm>>
      tpu.wait_dma2 semaphore(%run_scoped3A : memref<!tpu.dma_semaphore, #tpu.memory_space<semaphore_mem>>) src(%dma_wait3A_90 : memref<40x128xi32, #tpu.memory_space<hbm>>) dst(%arg10 : memref<40x128xi32, #tpu.memory_space<vmem>>)
      tpu.yield
    }) : () -> ()
    "tpu.region"() ({
      %run_scoped3A = tpu.sem_alloc : memref<!tpu.dma_semaphore, #tpu.memory_space<semaphore_mem>>
      %dma_start3A_76 = arith.constant 40 : i32
      %dma_start3A_77 = arith.constant 0 : i32
      %dma_start3A_78 = tpu.memref_slice %arg4[%arg1, %dma_start3A_76, %dma_start3A_77] : memref<16x80x128xi32, #tpu.memory_space<hbm>> -> memref<1x40x128xi32, #tpu.memory_space<hbm>>
      %dma_start3A_79 = tpu.memref_squeeze %dma_start3A_78 : memref<1x40x128xi32, #tpu.memory_space<hbm>> -> memref<40x128xi32, #tpu.memory_space<hbm>>
      %dma_start3A_80 = arith.constant 40 : i32
      %dma_start3A_81 = arith.constant 0 : i32
      %dma_start3A_82 = tpu.memref_slice %arg4[%arg1, %dma_start3A_80, %dma_start3A_81] : memref<16x80x128xi32, #tpu.memory_space<hbm>> -> memref<1x40x128xi32, #tpu.memory_space<hbm>>
      %dma_start3A_83 = tpu.memref_squeeze %dma_start3A_82 : memref<1x40x128xi32, #tpu.memory_space<hbm>> -> memref<40x128xi32, #tpu.memory_space<hbm>>
      tpu.enqueue_dma source(%dma_start3A_83 : memref<40x128xi32, #tpu.memory_space<hbm>>) target(%arg11 : memref<40x128xi32, #tpu.memory_space<vmem>>) target_semaphore(%run_scoped3A : memref<!tpu.dma_semaphore, #tpu.memory_space<semaphore_mem>>)
      %dma_wait3A = arith.constant 40 : i32
      %dma_wait3A_84 = arith.constant 0 : i32
      %dma_wait3A_85 = tpu.memref_slice %arg4[%arg1, %dma_wait3A, %dma_wait3A_84] : memref<16x80x128xi32, #tpu.memory_space<hbm>> -> memref<1x40x128xi32, #tpu.memory_space<hbm>>
      %dma_wait3A_86 = tpu.memref_squeeze %dma_wait3A_85 : memref<1x40x128xi32, #tpu.memory_space<hbm>> -> memref<40x128xi32, #tpu.memory_space<hbm>>
      %dma_wait3A_87 = arith.constant 40 : i32
      %dma_wait3A_88 = arith.constant 0 : i32
      %dma_wait3A_89 = tpu.memref_slice %arg4[%arg1, %dma_wait3A_87, %dma_wait3A_88] : memref<16x80x128xi32, #tpu.memory_space<hbm>> -> memref<1x40x128xi32, #tpu.memory_space<hbm>>
      %dma_wait3A_90 = tpu.memref_squeeze %dma_wait3A_89 : memref<1x40x128xi32, #tpu.memory_space<hbm>> -> memref<40x128xi32, #tpu.memory_space<hbm>>
      tpu.wait_dma2 semaphore(%run_scoped3A : memref<!tpu.dma_semaphore, #tpu.memory_space<semaphore_mem>>) src(%dma_wait3A_90 : memref<40x128xi32, #tpu.memory_space<hbm>>) dst(%arg11 : memref<40x128xi32, #tpu.memory_space<vmem>>)
      tpu.yield
    }) : () -> ()
    %dma_start3A_19 = arith.constant 0 : i32
    %dma_start3A_20 = arith.constant 0 : i32
    %dma_start3A_21 = tpu.memref_slice %arg10[%dma_start3A_19, %dma_start3A_20] : memref<40x128xi32, #tpu.memory_space<vmem>> -> memref<1x128xi32, #tpu.memory_space<vmem>>
    %dma_start3A_22 = tpu.memref_squeeze %dma_start3A_21 : memref<1x128xi32, #tpu.memory_space<vmem>> -> memref<128xi32, #tpu.memory_space<vmem>>
    %dma_start3A_23 = arith.constant 0 : i32
    %dma_start3A_24 = arith.constant 0 : i32
    %dma_start3A_25 = tpu.memref_slice %arg5[%dma_start3A_23, %dma_start3A_24] : memref<20480x128xf32, #tpu.memory_space<hbm>> -> memref<20480x128xf32, #tpu.memory_space<hbm>>
    tpu.enqueue_indirect_dma source(%dma_start3A_25 : memref<20480x128xf32, #tpu.memory_space<hbm>>) target(%arg12 : memref<128x128xf32, #tpu.memory_space<vmem>>) offsets(%dma_start3A_22 : memref<128xi32, #tpu.memory_space<vmem>>) semaphore(%arg15 : memref<!tpu.dma_semaphore, #tpu.memory_space<semaphore_mem>>)
    %dma_start3A_26 = arith.constant 1 : i32
    %dma_start3A_27 = arith.constant 0 : i32
    %dma_start3A_28 = tpu.memref_slice %arg10[%dma_start3A_26, %dma_start3A_27] : memref<40x128xi32, #tpu.memory_space<vmem>> -> memref<1x128xi32, #tpu.memory_space<vmem>>
    %dma_start3A_29 = tpu.memref_squeeze %dma_start3A_28 : memref<1x128xi32, #tpu.memory_space<vmem>> -> memref<128xi32, #tpu.memory_space<vmem>>
    %dma_start3A_30 = arith.constant 0 : i32
    %dma_start3A_31 = arith.constant 0 : i32
    %dma_start3A_32 = tpu.memref_slice %arg5[%dma_start3A_30, %dma_start3A_31] : memref<20480x128xf32, #tpu.memory_space<hbm>> -> memref<20480x128xf32, #tpu.memory_space<hbm>>
    tpu.enqueue_indirect_dma source(%dma_start3A_32 : memref<20480x128xf32, #tpu.memory_space<hbm>>) target(%arg13 : memref<128x128xf32, #tpu.memory_space<vmem>>) offsets(%dma_start3A_29 : memref<128xi32, #tpu.memory_space<vmem>>) semaphore(%arg16 : memref<!tpu.dma_semaphore, #tpu.memory_space<semaphore_mem>>)
    %scan3A_33 = arith.constant 0 : i32
    %scan3A_34 = arith.constant 0 : i32
    %scan3A_35 = arith.constant 20 : i32
    %scan3A_36 = arith.addi %scan3A_34, %scan3A_35 : i32
    %scan3A_37 = arith.constant 1 : i32
    scf.for %scan3A_76 = %scan3A_34 to %scan3A_36 step %scan3A_37  : i32 {
      %mul3A_77 = arith.constant 2 : i32
      %mul3A_78 = arith.muli %scan3A_76, %mul3A_77 : i32
      %dma_wait3A = arith.constant 0 : i32
      %dma_wait3A_79 = tpu.memref_slice %arg10[%mul3A_78, %dma_wait3A] : memref<40x128xi32, #tpu.memory_space<vmem>> -> memref<1x128xi32, #tpu.memory_space<vmem>>
      %dma_wait3A_80 = tpu.memref_squeeze %dma_wait3A_79 : memref<1x128xi32, #tpu.memory_space<vmem>> -> memref<128xi32, #tpu.memory_space<vmem>>
      %dma_wait3A_81 = arith.constant 0 : i32
      %dma_wait3A_82 = arith.constant 0 : i32
      %dma_wait3A_83 = tpu.memref_slice %arg5[%dma_wait3A_81, %dma_wait3A_82] : memref<20480x128xf32, #tpu.memory_space<hbm>> -> memref<20480x128xf32, #tpu.memory_space<hbm>>
      tpu.wait_indirect_dma semaphore(%arg15 : memref<!tpu.dma_semaphore, #tpu.memory_space<semaphore_mem>>) src(%dma_wait3A_83 : memref<20480x128xf32, #tpu.memory_space<hbm>>) dst(%arg12 : memref<128x128xf32, #tpu.memory_space<vmem>>)
      %dma_start3A_84 = arith.constant 0 : i32
      %dma_start3A_85 = tpu.memref_slice %arg11[%mul3A_78, %dma_start3A_84] : memref<40x128xi32, #tpu.memory_space<vmem>> -> memref<1x128xi32, #tpu.memory_space<vmem>>
      %dma_start3A_86 = tpu.memref_squeeze %dma_start3A_85 : memref<1x128xi32, #tpu.memory_space<vmem>> -> memref<128xi32, #tpu.memory_space<vmem>>
      %dma_start3A_87 = arith.constant 0 : i32
      %dma_start3A_88 = arith.constant 0 : i32
      %dma_start3A_89 = tpu.memref_slice %arg14[%dma_start3A_87, %dma_start3A_88] : memref<10240x128xf32, #tpu.memory_space<vmem_shared>> -> memref<10240x128xf32, #tpu.memory_space<vmem_shared>>
      tpu.enqueue_indirect_dma source(%arg12 : memref<128x128xf32, #tpu.memory_space<vmem>>) target(%dma_start3A_89 : memref<10240x128xf32, #tpu.memory_space<vmem_shared>>) offsets(%dma_start3A_86 : memref<128xi32, #tpu.memory_space<vmem>>) semaphore(%arg17 : memref<!tpu.dma_semaphore, #tpu.memory_space<semaphore_mem>>) {add = true}
      %add3A = arith.constant 1 : i32
      %add3A_90 = arith.addi %mul3A_78, %add3A : i32
      %dma_wait3A_91 = arith.constant 0 : i32
      %dma_wait3A_92 = tpu.memref_slice %arg10[%add3A_90, %dma_wait3A_91] : memref<40x128xi32, #tpu.memory_space<vmem>> -> memref<1x128xi32, #tpu.memory_space<vmem>>
      %dma_wait3A_93 = tpu.memref_squeeze %dma_wait3A_92 : memref<1x128xi32, #tpu.memory_space<vmem>> -> memref<128xi32, #tpu.memory_space<vmem>>
      %dma_wait3A_94 = arith.constant 0 : i32
      %dma_wait3A_95 = arith.constant 0 : i32
      %dma_wait3A_96 = tpu.memref_slice %arg5[%dma_wait3A_94, %dma_wait3A_95] : memref<20480x128xf32, #tpu.memory_space<hbm>> -> memref<20480x128xf32, #tpu.memory_space<hbm>>
      tpu.wait_indirect_dma semaphore(%arg16 : memref<!tpu.dma_semaphore, #tpu.memory_space<semaphore_mem>>) src(%dma_wait3A_96 : memref<20480x128xf32, #tpu.memory_space<hbm>>) dst(%arg13 : memref<128x128xf32, #tpu.memory_space<vmem>>)
      %dma_wait3A_97 = arith.constant 0 : i32
      %dma_wait3A_98 = tpu.memref_slice %arg11[%mul3A_78, %dma_wait3A_97] : memref<40x128xi32, #tpu.memory_space<vmem>> -> memref<1x128xi32, #tpu.memory_space<vmem>>
      %dma_wait3A_99 = tpu.memref_squeeze %dma_wait3A_98 : memref<1x128xi32, #tpu.memory_space<vmem>> -> memref<128xi32, #tpu.memory_space<vmem>>
      %dma_wait3A_100 = arith.constant 0 : i32
      %dma_wait3A_101 = arith.constant 0 : i32
      %dma_wait3A_102 = tpu.memref_slice %arg14[%dma_wait3A_100, %dma_wait3A_101] : memref<10240x128xf32, #tpu.memory_space<vmem_shared>> -> memref<10240x128xf32, #tpu.memory_space<vmem_shared>>
      tpu.wait_indirect_dma semaphore(%arg17 : memref<!tpu.dma_semaphore, #tpu.memory_space<semaphore_mem>>) src(%arg12 : memref<128x128xf32, #tpu.memory_space<vmem>>) dst(%dma_wait3A_102 : memref<10240x128xf32, #tpu.memory_space<vmem_shared>>)
      %add3A_103 = arith.constant 1 : i32
      %add3A_104 = arith.addi %mul3A_78, %add3A_103 : i32
      %dma_start3A_105 = arith.constant 0 : i32
      %dma_start3A_106 = tpu.memref_slice %arg11[%add3A_104, %dma_start3A_105] : memref<40x128xi32, #tpu.memory_space<vmem>> -> memref<1x128xi32, #tpu.memory_space<vmem>>
      %dma_start3A_107 = tpu.memref_squeeze %dma_start3A_106 : memref<1x128xi32, #tpu.memory_space<vmem>> -> memref<128xi32, #tpu.memory_space<vmem>>
      %dma_start3A_108 = arith.constant 0 : i32
      %dma_start3A_109 = arith.constant 0 : i32
      %dma_start3A_110 = tpu.memref_slice %arg14[%dma_start3A_108, %dma_start3A_109] : memref<10240x128xf32, #tpu.memory_space<vmem_shared>> -> memref<10240x128xf32, #tpu.memory_space<vmem_shared>>
      tpu.enqueue_indirect_dma source(%arg13 : memref<128x128xf32, #tpu.memory_space<vmem>>) target(%dma_start3A_110 : memref<10240x128xf32, #tpu.memory_space<vmem_shared>>) offsets(%dma_start3A_107 : memref<128xi32, #tpu.memory_space<vmem>>) semaphore(%arg18 : memref<!tpu.dma_semaphore, #tpu.memory_space<semaphore_mem>>) {add = true}
      %add3A_111 = arith.constant 2 : i32
      %add3A_112 = arith.addi %mul3A_78, %add3A_111 : i32
      %lt3A = arith.constant 40 : i32
      %lt3A_113 = arith.cmpi slt, %add3A_112, %lt3A : i32
      %convert_element_type3A = arith.extui %lt3A_113 : i1 to i32
      %cond3A = arith.constant 0 : i32
      %cond3A_114 = arith.cmpi ne, %convert_element_type3A, %cond3A : i32
      scf.if %cond3A_114 {
        %add3A_128 = arith.constant 2 : i32
        %add3A_129 = arith.addi %mul3A_78, %add3A_128 : i32
        %dma_start3A_130 = arith.constant 0 : i32
        %dma_start3A_131 = tpu.memref_slice %arg10[%add3A_129, %dma_start3A_130] : memref<40x128xi32, #tpu.memory_space<vmem>> -> memref<1x128xi32, #tpu.memory_space<vmem>>
        %dma_start3A_132 = tpu.memref_squeeze %dma_start3A_131 : memref<1x128xi32, #tpu.memory_space<vmem>> -> memref<128xi32, #tpu.memory_space<vmem>>
        %dma_start3A_133 = arith.constant 0 : i32
        %dma_start3A_134 = arith.constant 0 : i32
        %dma_start3A_135 = tpu.memref_slice %arg5[%dma_start3A_133, %dma_start3A_134] : memref<20480x128xf32, #tpu.memory_space<hbm>> -> memref<20480x128xf32, #tpu.memory_space<hbm>>
        tpu.enqueue_indirect_dma source(%dma_start3A_135 : memref<20480x128xf32, #tpu.memory_space<hbm>>) target(%arg12 : memref<128x128xf32, #tpu.memory_space<vmem>>) offsets(%dma_start3A_132 : memref<128xi32, #tpu.memory_space<vmem>>) semaphore(%arg15 : memref<!tpu.dma_semaphore, #tpu.memory_space<semaphore_mem>>)
      } else {
      }
      %dma_wait3A_115 = arith.constant 0 : i32
      %dma_wait3A_116 = tpu.memref_slice %arg11[%add3A_104, %dma_wait3A_115] : memref<40x128xi32, #tpu.memory_space<vmem>> -> memref<1x128xi32, #tpu.memory_space<vmem>>
      %dma_wait3A_117 = tpu.memref_squeeze %dma_wait3A_116 : memref<1x128xi32, #tpu.memory_space<vmem>> -> memref<128xi32, #tpu.memory_space<vmem>>
      %dma_wait3A_118 = arith.constant 0 : i32
      %dma_wait3A_119 = arith.constant 0 : i32
      %dma_wait3A_120 = tpu.memref_slice %arg14[%dma_wait3A_118, %dma_wait3A_119] : memref<10240x128xf32, #tpu.memory_space<vmem_shared>> -> memref<10240x128xf32, #tpu.memory_space<vmem_shared>>
      tpu.wait_indirect_dma semaphore(%arg18 : memref<!tpu.dma_semaphore, #tpu.memory_space<semaphore_mem>>) src(%arg13 : memref<128x128xf32, #tpu.memory_space<vmem>>) dst(%dma_wait3A_120 : memref<10240x128xf32, #tpu.memory_space<vmem_shared>>)
      %add3A_121 = arith.constant 3 : i32
      %add3A_122 = arith.addi %mul3A_78, %add3A_121 : i32
      %lt3A_123 = arith.constant 40 : i32
      %lt3A_124 = arith.cmpi slt, %add3A_122, %lt3A_123 : i32
      %convert_element_type3A_125 = arith.extui %lt3A_124 : i1 to i32
      %cond3A_126 = arith.constant 0 : i32
      %cond3A_127 = arith.cmpi ne, %convert_element_type3A_125, %cond3A_126 : i32
      scf.if %cond3A_127 {
        %add3A_128 = arith.constant 3 : i32
        %add3A_129 = arith.addi %mul3A_78, %add3A_128 : i32
        %dma_start3A_130 = arith.constant 0 : i32
        %dma_start3A_131 = tpu.memref_slice %arg10[%add3A_129, %dma_start3A_130] : memref<40x128xi32, #tpu.memory_space<vmem>> -> memref<1x128xi32, #tpu.memory_space<vmem>>
        %dma_start3A_132 = tpu.memref_squeeze %dma_start3A_131 : memref<1x128xi32, #tpu.memory_space<vmem>> -> memref<128xi32, #tpu.memory_space<vmem>>
        %dma_start3A_133 = arith.constant 0 : i32
        %dma_start3A_134 = arith.constant 0 : i32
        %dma_start3A_135 = tpu.memref_slice %arg5[%dma_start3A_133, %dma_start3A_134] : memref<20480x128xf32, #tpu.memory_space<hbm>> -> memref<20480x128xf32, #tpu.memory_space<hbm>>
        tpu.enqueue_indirect_dma source(%dma_start3A_135 : memref<20480x128xf32, #tpu.memory_space<hbm>>) target(%arg13 : memref<128x128xf32, #tpu.memory_space<vmem>>) offsets(%dma_start3A_132 : memref<128xi32, #tpu.memory_space<vmem>>) semaphore(%arg16 : memref<!tpu.dma_semaphore, #tpu.memory_space<semaphore_mem>>)
      } else {
      }
    }
    %scan3A_38 = arith.constant 20 : i32
    %barrier3A_39 = arith.constant 0 : index
    tpu.barrier barrier_id(%barrier3A_39)
    %mul3A_40 = arith.constant 640 : i32
    %mul3A_41 = arith.muli %arg1, %mul3A_40 : i32
    %mul3A_42 = arith.constant 640 : i32
    %mul3A_43 = arith.muli %arg1, %mul3A_42 : i32
    "tpu.region"() ({
      %run_scoped3A = tpu.sem_alloc : memref<!tpu.dma_semaphore, #tpu.memory_space<semaphore_mem>>
      %dma_start3A_76 = arith.constant 0 : i32
      %dma_start3A_77 = tpu.memref_slice %arg8[%arg0, %mul3A_43, %dma_start3A_76] : memref<2x10240x128xf32, #tpu.memory_space<hbm>> -> memref<1x640x128xf32, #tpu.memory_space<hbm>>
      %dma_start3A_78 = tpu.memref_squeeze %dma_start3A_77 : memref<1x640x128xf32, #tpu.memory_space<hbm>> -> memref<640x128xf32, #tpu.memory_space<hbm>>
      %dma_start3A_79 = arith.constant 0 : i32
      %dma_start3A_80 = tpu.memref_slice %arg14[%mul3A_41, %dma_start3A_79] : memref<10240x128xf32, #tpu.memory_space<vmem_shared>> -> memref<640x128xf32, #tpu.memory_space<vmem_shared>>
      tpu.enqueue_dma source(%dma_start3A_80 : memref<640x128xf32, #tpu.memory_space<vmem_shared>>) target(%dma_start3A_78 : memref<640x128xf32, #tpu.memory_space<hbm>>) target_semaphore(%run_scoped3A : memref<!tpu.dma_semaphore, #tpu.memory_space<semaphore_mem>>)
      %dma_wait3A = arith.constant 0 : i32
      %dma_wait3A_81 = tpu.memref_slice %arg8[%arg0, %mul3A_43, %dma_wait3A] : memref<2x10240x128xf32, #tpu.memory_space<hbm>> -> memref<1x640x128xf32, #tpu.memory_space<hbm>>
      %dma_wait3A_82 = tpu.memref_squeeze %dma_wait3A_81 : memref<1x640x128xf32, #tpu.memory_space<hbm>> -> memref<640x128xf32, #tpu.memory_space<hbm>>
      %dma_wait3A_83 = arith.constant 0 : i32
      %dma_wait3A_84 = tpu.memref_slice %arg14[%mul3A_41, %dma_wait3A_83] : memref<10240x128xf32, #tpu.memory_space<vmem_shared>> -> memref<640x128xf32, #tpu.memory_space<vmem_shared>>
      tpu.wait_dma2 semaphore(%run_scoped3A : memref<!tpu.dma_semaphore, #tpu.memory_space<semaphore_mem>>) src(%dma_wait3A_84 : memref<640x128xf32, #tpu.memory_space<vmem_shared>>) dst(%dma_wait3A_82 : memref<640x128xf32, #tpu.memory_space<hbm>>)
      tpu.yield
    }) : () -> ()
    %mul3A_44 = arith.constant 640 : i32
    %mul3A_45 = arith.muli %arg1, %mul3A_44 : i32
    "tpu.region"() ({
      %run_scoped3A = tpu.sem_alloc : memref<!tpu.dma_semaphore, #tpu.memory_space<semaphore_mem>>
      %dma_start3A_76 = arith.constant 0 : i32
      %dma_start3A_77 = tpu.memref_slice %arg14[%mul3A_45, %dma_start3A_76] : memref<10240x128xf32, #tpu.memory_space<vmem_shared>> -> memref<640x128xf32, #tpu.memory_space<vmem_shared>>
      tpu.enqueue_dma source(%arg7 : memref<640x128xf32, #tpu.memory_space<hbm>>) target(%dma_start3A_77 : memref<640x128xf32, #tpu.memory_space<vmem_shared>>) target_semaphore(%run_scoped3A : memref<!tpu.dma_semaphore, #tpu.memory_space<semaphore_mem>>)
      %dma_wait3A = arith.constant 0 : i32
      %dma_wait3A_78 = tpu.memref_slice %arg14[%mul3A_45, %dma_wait3A] : memref<10240x128xf32, #tpu.memory_space<vmem_shared>> -> memref<640x128xf32, #tpu.memory_space<vmem_shared>>
      tpu.wait_dma2 semaphore(%run_scoped3A : memref<!tpu.dma_semaphore, #tpu.memory_space<semaphore_mem>>) src(%arg7 : memref<640x128xf32, #tpu.memory_space<hbm>>) dst(%dma_wait3A_78 : memref<640x128xf32, #tpu.memory_space<vmem_shared>>)
      tpu.yield
    }) : () -> ()
    %barrier3A_46 = arith.constant 0 : index
    tpu.barrier barrier_id(%barrier3A_46)
    %mul3A_47 = arith.constant 40 : i32
    %mul3A_48 = arith.muli %arg0, %mul3A_47 : i32
    "tpu.region"() ({
      %run_scoped3A = tpu.sem_alloc : memref<!tpu.dma_semaphore, #tpu.memory_space<semaphore_mem>>
      %dma_start3A_76 = arith.constant 0 : i32
      %dma_start3A_77 = tpu.memref_slice %arg3[%arg1, %mul3A_48, %dma_start3A_76] : memref<16x80x128xi32, #tpu.memory_space<hbm>> -> memref<1x40x128xi32, #tpu.memory_space<hbm>>
      %dma_start3A_78 = tpu.memref_squeeze %dma_start3A_77 : memref<1x40x128xi32, #tpu.memory_space<hbm>> -> memref<40x128xi32, #tpu.memory_space<hbm>>
      %dma_start3A_79 = arith.constant 0 : i32
      %dma_start3A_80 = tpu.memref_slice %arg3[%arg1, %mul3A_48, %dma_start3A_79] : memref<16x80x128xi32, #tpu.memory_space<hbm>> -> memref<1x40x128xi32, #tpu.memory_space<hbm>>
      %dma_start3A_81 = tpu.memref_squeeze %dma_start3A_80 : memref<1x40x128xi32, #tpu.memory_space<hbm>> -> memref<40x128xi32, #tpu.memory_space<hbm>>
      tpu.enqueue_dma source(%dma_start3A_81 : memref<40x128xi32, #tpu.memory_space<hbm>>) target(%arg10 : memref<40x128xi32, #tpu.memory_space<vmem>>) target_semaphore(%run_scoped3A : memref<!tpu.dma_semaphore, #tpu.memory_space<semaphore_mem>>)
      %dma_wait3A = arith.constant 0 : i32
      %dma_wait3A_82 = tpu.memref_slice %arg3[%arg1, %mul3A_48, %dma_wait3A] : memref<16x80x128xi32, #tpu.memory_space<hbm>> -> memref<1x40x128xi32, #tpu.memory_space<hbm>>
      %dma_wait3A_83 = tpu.memref_squeeze %dma_wait3A_82 : memref<1x40x128xi32, #tpu.memory_space<hbm>> -> memref<40x128xi32, #tpu.memory_space<hbm>>
      %dma_wait3A_84 = arith.constant 0 : i32
      %dma_wait3A_85 = tpu.memref_slice %arg3[%arg1, %mul3A_48, %dma_wait3A_84] : memref<16x80x128xi32, #tpu.memory_space<hbm>> -> memref<1x40x128xi32, #tpu.memory_space<hbm>>
      %dma_wait3A_86 = tpu.memref_squeeze %dma_wait3A_85 : memref<1x40x128xi32, #tpu.memory_space<hbm>> -> memref<40x128xi32, #tpu.memory_space<hbm>>
      tpu.wait_dma2 semaphore(%run_scoped3A : memref<!tpu.dma_semaphore, #tpu.memory_space<semaphore_mem>>) src(%dma_wait3A_86 : memref<40x128xi32, #tpu.memory_space<hbm>>) dst(%arg10 : memref<40x128xi32, #tpu.memory_space<vmem>>)
      tpu.yield
    }) : () -> ()
    %mul3A_49 = arith.constant 40 : i32
    %mul3A_50 = arith.muli %arg0, %mul3A_49 : i32
    "tpu.region"() ({
      %run_scoped3A = tpu.sem_alloc : memref<!tpu.dma_semaphore, #tpu.memory_space<semaphore_mem>>
      %dma_start3A_76 = arith.constant 0 : i32
      %dma_start3A_77 = tpu.memref_slice %arg4[%arg1, %mul3A_50, %dma_start3A_76] : memref<16x80x128xi32, #tpu.memory_space<hbm>> -> memref<1x40x128xi32, #tpu.memory_space<hbm>>
      %dma_start3A_78 = tpu.memref_squeeze %dma_start3A_77 : memref<1x40x128xi32, #tpu.memory_space<hbm>> -> memref<40x128xi32, #tpu.memory_space<hbm>>
      %dma_start3A_79 = arith.constant 0 : i32
      %dma_start3A_80 = tpu.memref_slice %arg4[%arg1, %mul3A_50, %dma_start3A_79] : memref<16x80x128xi32, #tpu.memory_space<hbm>> -> memref<1x40x128xi32, #tpu.memory_space<hbm>>
      %dma_start3A_81 = tpu.memref_squeeze %dma_start3A_80 : memref<1x40x128xi32, #tpu.memory_space<hbm>> -> memref<40x128xi32, #tpu.memory_space<hbm>>
      tpu.enqueue_dma source(%dma_start3A_81 : memref<40x128xi32, #tpu.memory_space<hbm>>) target(%arg11 : memref<40x128xi32, #tpu.memory_space<vmem>>) target_semaphore(%run_scoped3A : memref<!tpu.dma_semaphore, #tpu.memory_space<semaphore_mem>>)
      %dma_wait3A = arith.constant 0 : i32
      %dma_wait3A_82 = tpu.memref_slice %arg4[%arg1, %mul3A_50, %dma_wait3A] : memref<16x80x128xi32, #tpu.memory_space<hbm>> -> memref<1x40x128xi32, #tpu.memory_space<hbm>>
      %dma_wait3A_83 = tpu.memref_squeeze %dma_wait3A_82 : memref<1x40x128xi32, #tpu.memory_space<hbm>> -> memref<40x128xi32, #tpu.memory_space<hbm>>
      %dma_wait3A_84 = arith.constant 0 : i32
      %dma_wait3A_85 = tpu.memref_slice %arg4[%arg1, %mul3A_50, %dma_wait3A_84] : memref<16x80x128xi32, #tpu.memory_space<hbm>> -> memref<1x40x128xi32, #tpu.memory_space<hbm>>
      %dma_wait3A_86 = tpu.memref_squeeze %dma_wait3A_85 : memref<1x40x128xi32, #tpu.memory_space<hbm>> -> memref<40x128xi32, #tpu.memory_space<hbm>>
      tpu.wait_dma2 semaphore(%run_scoped3A : memref<!tpu.dma_semaphore, #tpu.memory_space<semaphore_mem>>) src(%dma_wait3A_86 : memref<40x128xi32, #tpu.memory_space<hbm>>) dst(%arg11 : memref<40x128xi32, #tpu.memory_space<vmem>>)
      tpu.yield
    }) : () -> ()
    %dma_start3A_51 = arith.constant 0 : i32
    %dma_start3A_52 = arith.constant 0 : i32
    %dma_start3A_53 = tpu.memref_slice %arg11[%dma_start3A_51, %dma_start3A_52] : memref<40x128xi32, #tpu.memory_space<vmem>> -> memref<1x128xi32, #tpu.memory_space<vmem>>
    %dma_start3A_54 = tpu.memref_squeeze %dma_start3A_53 : memref<1x128xi32, #tpu.memory_space<vmem>> -> memref<128xi32, #tpu.memory_space<vmem>>
    %dma_start3A_55 = arith.constant 0 : i32
    %dma_start3A_56 = arith.constant 0 : i32
    %dma_start3A_57 = tpu.memref_slice %arg6[%dma_start3A_55, %dma_start3A_56] : memref<10240x128xf32, #tpu.memory_space<hbm>> -> memref<10240x128xf32, #tpu.memory_space<hbm>>
    tpu.enqueue_indirect_dma source(%dma_start3A_57 : memref<10240x128xf32, #tpu.memory_space<hbm>>) target(%arg12 : memref<128x128xf32, #tpu.memory_space<vmem>>) offsets(%dma_start3A_54 : memref<128xi32, #tpu.memory_space<vmem>>) semaphore(%arg15 : memref<!tpu.dma_semaphore, #tpu.memory_space<semaphore_mem>>)
    %dma_start3A_58 = arith.constant 1 : i32
    %dma_start3A_59 = arith.constant 0 : i32
    %dma_start3A_60 = tpu.memref_slice %arg11[%dma_start3A_58, %dma_start3A_59] : memref<40x128xi32, #tpu.memory_space<vmem>> -> memref<1x128xi32, #tpu.memory_space<vmem>>
    %dma_start3A_61 = tpu.memref_squeeze %dma_start3A_60 : memref<1x128xi32, #tpu.memory_space<vmem>> -> memref<128xi32, #tpu.memory_space<vmem>>
    %dma_start3A_62 = arith.constant 0 : i32
    %dma_start3A_63 = arith.constant 0 : i32
    %dma_start3A_64 = tpu.memref_slice %arg6[%dma_start3A_62, %dma_start3A_63] : memref<10240x128xf32, #tpu.memory_space<hbm>> -> memref<10240x128xf32, #tpu.memory_space<hbm>>
    tpu.enqueue_indirect_dma source(%dma_start3A_64 : memref<10240x128xf32, #tpu.memory_space<hbm>>) target(%arg13 : memref<128x128xf32, #tpu.memory_space<vmem>>) offsets(%dma_start3A_61 : memref<128xi32, #tpu.memory_space<vmem>>) semaphore(%arg16 : memref<!tpu.dma_semaphore, #tpu.memory_space<semaphore_mem>>)
    %scan3A_65 = arith.constant 0 : i32
    %scan3A_66 = arith.constant 0 : i32
    %scan3A_67 = arith.constant 20 : i32
    %scan3A_68 = arith.addi %scan3A_66, %scan3A_67 : i32
    %scan3A_69 = arith.constant 1 : i32
    scf.for %scan3A_76 = %scan3A_66 to %scan3A_68 step %scan3A_69  : i32 {
      %mul3A_77 = arith.constant 2 : i32
      %mul3A_78 = arith.muli %scan3A_76, %mul3A_77 : i32
      %dma_wait3A = arith.constant 0 : i32
      %dma_wait3A_79 = tpu.memref_slice %arg11[%mul3A_78, %dma_wait3A] : memref<40x128xi32, #tpu.memory_space<vmem>> -> memref<1x128xi32, #tpu.memory_space<vmem>>
      %dma_wait3A_80 = tpu.memref_squeeze %dma_wait3A_79 : memref<1x128xi32, #tpu.memory_space<vmem>> -> memref<128xi32, #tpu.memory_space<vmem>>
      %dma_wait3A_81 = arith.constant 0 : i32
      %dma_wait3A_82 = arith.constant 0 : i32
      %dma_wait3A_83 = tpu.memref_slice %arg6[%dma_wait3A_81, %dma_wait3A_82] : memref<10240x128xf32, #tpu.memory_space<hbm>> -> memref<10240x128xf32, #tpu.memory_space<hbm>>
      tpu.wait_indirect_dma semaphore(%arg15 : memref<!tpu.dma_semaphore, #tpu.memory_space<semaphore_mem>>) src(%dma_wait3A_83 : memref<10240x128xf32, #tpu.memory_space<hbm>>) dst(%arg12 : memref<128x128xf32, #tpu.memory_space<vmem>>)
      %dma_start3A_84 = arith.constant 0 : i32
      %dma_start3A_85 = tpu.memref_slice %arg10[%mul3A_78, %dma_start3A_84] : memref<40x128xi32, #tpu.memory_space<vmem>> -> memref<1x128xi32, #tpu.memory_space<vmem>>
      %dma_start3A_86 = tpu.memref_squeeze %dma_start3A_85 : memref<1x128xi32, #tpu.memory_space<vmem>> -> memref<128xi32, #tpu.memory_space<vmem>>
      %dma_start3A_87 = arith.constant 0 : i32
      %dma_start3A_88 = arith.constant 0 : i32
      %dma_start3A_89 = tpu.memref_slice %arg14[%dma_start3A_87, %dma_start3A_88] : memref<10240x128xf32, #tpu.memory_space<vmem_shared>> -> memref<10240x128xf32, #tpu.memory_space<vmem_shared>>
      tpu.enqueue_indirect_dma source(%arg12 : memref<128x128xf32, #tpu.memory_space<vmem>>) target(%dma_start3A_89 : memref<10240x128xf32, #tpu.memory_space<vmem_shared>>) offsets(%dma_start3A_86 : memref<128xi32, #tpu.memory_space<vmem>>) semaphore(%arg17 : memref<!tpu.dma_semaphore, #tpu.memory_space<semaphore_mem>>) {add = true}
      %add3A = arith.constant 1 : i32
      %add3A_90 = arith.addi %mul3A_78, %add3A : i32
      %dma_wait3A_91 = arith.constant 0 : i32
      %dma_wait3A_92 = tpu.memref_slice %arg11[%add3A_90, %dma_wait3A_91] : memref<40x128xi32, #tpu.memory_space<vmem>> -> memref<1x128xi32, #tpu.memory_space<vmem>>
      %dma_wait3A_93 = tpu.memref_squeeze %dma_wait3A_92 : memref<1x128xi32, #tpu.memory_space<vmem>> -> memref<128xi32, #tpu.memory_space<vmem>>
      %dma_wait3A_94 = arith.constant 0 : i32
      %dma_wait3A_95 = arith.constant 0 : i32
      %dma_wait3A_96 = tpu.memref_slice %arg6[%dma_wait3A_94, %dma_wait3A_95] : memref<10240x128xf32, #tpu.memory_space<hbm>> -> memref<10240x128xf32, #tpu.memory_space<hbm>>
      tpu.wait_indirect_dma semaphore(%arg16 : memref<!tpu.dma_semaphore, #tpu.memory_space<semaphore_mem>>) src(%dma_wait3A_96 : memref<10240x128xf32, #tpu.memory_space<hbm>>) dst(%arg13 : memref<128x128xf32, #tpu.memory_space<vmem>>)
      %dma_wait3A_97 = arith.constant 0 : i32
      %dma_wait3A_98 = tpu.memref_slice %arg10[%mul3A_78, %dma_wait3A_97] : memref<40x128xi32, #tpu.memory_space<vmem>> -> memref<1x128xi32, #tpu.memory_space<vmem>>
      %dma_wait3A_99 = tpu.memref_squeeze %dma_wait3A_98 : memref<1x128xi32, #tpu.memory_space<vmem>> -> memref<128xi32, #tpu.memory_space<vmem>>
      %dma_wait3A_100 = arith.constant 0 : i32
      %dma_wait3A_101 = arith.constant 0 : i32
      %dma_wait3A_102 = tpu.memref_slice %arg14[%dma_wait3A_100, %dma_wait3A_101] : memref<10240x128xf32, #tpu.memory_space<vmem_shared>> -> memref<10240x128xf32, #tpu.memory_space<vmem_shared>>
      tpu.wait_indirect_dma semaphore(%arg17 : memref<!tpu.dma_semaphore, #tpu.memory_space<semaphore_mem>>) src(%arg12 : memref<128x128xf32, #tpu.memory_space<vmem>>) dst(%dma_wait3A_102 : memref<10240x128xf32, #tpu.memory_space<vmem_shared>>)
      %add3A_103 = arith.constant 1 : i32
      %add3A_104 = arith.addi %mul3A_78, %add3A_103 : i32
      %dma_start3A_105 = arith.constant 0 : i32
      %dma_start3A_106 = tpu.memref_slice %arg10[%add3A_104, %dma_start3A_105] : memref<40x128xi32, #tpu.memory_space<vmem>> -> memref<1x128xi32, #tpu.memory_space<vmem>>
      %dma_start3A_107 = tpu.memref_squeeze %dma_start3A_106 : memref<1x128xi32, #tpu.memory_space<vmem>> -> memref<128xi32, #tpu.memory_space<vmem>>
      %dma_start3A_108 = arith.constant 0 : i32
      %dma_start3A_109 = arith.constant 0 : i32
      %dma_start3A_110 = tpu.memref_slice %arg14[%dma_start3A_108, %dma_start3A_109] : memref<10240x128xf32, #tpu.memory_space<vmem_shared>> -> memref<10240x128xf32, #tpu.memory_space<vmem_shared>>
      tpu.enqueue_indirect_dma source(%arg13 : memref<128x128xf32, #tpu.memory_space<vmem>>) target(%dma_start3A_110 : memref<10240x128xf32, #tpu.memory_space<vmem_shared>>) offsets(%dma_start3A_107 : memref<128xi32, #tpu.memory_space<vmem>>) semaphore(%arg18 : memref<!tpu.dma_semaphore, #tpu.memory_space<semaphore_mem>>) {add = true}
      %add3A_111 = arith.constant 2 : i32
      %add3A_112 = arith.addi %mul3A_78, %add3A_111 : i32
      %lt3A = arith.constant 40 : i32
      %lt3A_113 = arith.cmpi slt, %add3A_112, %lt3A : i32
      %convert_element_type3A = arith.extui %lt3A_113 : i1 to i32
      %cond3A = arith.constant 0 : i32
      %cond3A_114 = arith.cmpi ne, %convert_element_type3A, %cond3A : i32
      scf.if %cond3A_114 {
        %add3A_128 = arith.constant 2 : i32
        %add3A_129 = arith.addi %mul3A_78, %add3A_128 : i32
        %dma_start3A_130 = arith.constant 0 : i32
        %dma_start3A_131 = tpu.memref_slice %arg11[%add3A_129, %dma_start3A_130] : memref<40x128xi32, #tpu.memory_space<vmem>> -> memref<1x128xi32, #tpu.memory_space<vmem>>
        %dma_start3A_132 = tpu.memref_squeeze %dma_start3A_131 : memref<1x128xi32, #tpu.memory_space<vmem>> -> memref<128xi32, #tpu.memory_space<vmem>>
        %dma_start3A_133 = arith.constant 0 : i32
        %dma_start3A_134 = arith.constant 0 : i32
        %dma_start3A_135 = tpu.memref_slice %arg6[%dma_start3A_133, %dma_start3A_134] : memref<10240x128xf32, #tpu.memory_space<hbm>> -> memref<10240x128xf32, #tpu.memory_space<hbm>>
        tpu.enqueue_indirect_dma source(%dma_start3A_135 : memref<10240x128xf32, #tpu.memory_space<hbm>>) target(%arg12 : memref<128x128xf32, #tpu.memory_space<vmem>>) offsets(%dma_start3A_132 : memref<128xi32, #tpu.memory_space<vmem>>) semaphore(%arg15 : memref<!tpu.dma_semaphore, #tpu.memory_space<semaphore_mem>>)
      } else {
      }
      %dma_wait3A_115 = arith.constant 0 : i32
      %dma_wait3A_116 = tpu.memref_slice %arg10[%add3A_104, %dma_wait3A_115] : memref<40x128xi32, #tpu.memory_space<vmem>> -> memref<1x128xi32, #tpu.memory_space<vmem>>
      %dma_wait3A_117 = tpu.memref_squeeze %dma_wait3A_116 : memref<1x128xi32, #tpu.memory_space<vmem>> -> memref<128xi32, #tpu.memory_space<vmem>>
      %dma_wait3A_118 = arith.constant 0 : i32
      %dma_wait3A_119 = arith.constant 0 : i32
      %dma_wait3A_120 = tpu.memref_slice %arg14[%dma_wait3A_118, %dma_wait3A_119] : memref<10240x128xf32, #tpu.memory_space<vmem_shared>> -> memref<10240x128xf32, #tpu.memory_space<vmem_shared>>
      tpu.wait_indirect_dma semaphore(%arg18 : memref<!tpu.dma_semaphore, #tpu.memory_space<semaphore_mem>>) src(%arg13 : memref<128x128xf32, #tpu.memory_space<vmem>>) dst(%dma_wait3A_120 : memref<10240x128xf32, #tpu.memory_space<vmem_shared>>)
      %add3A_121 = arith.constant 3 : i32
      %add3A_122 = arith.addi %mul3A_78, %add3A_121 : i32
      %lt3A_123 = arith.constant 40 : i32
      %lt3A_124 = arith.cmpi slt, %add3A_122, %lt3A_123 : i32
      %convert_element_type3A_125 = arith.extui %lt3A_124 : i1 to i32
      %cond3A_126 = arith.constant 0 : i32
      %cond3A_127 = arith.cmpi ne, %convert_element_type3A_125, %cond3A_126 : i32
      scf.if %cond3A_127 {
        %add3A_128 = arith.constant 3 : i32
        %add3A_129 = arith.addi %mul3A_78, %add3A_128 : i32
        %dma_start3A_130 = arith.constant 0 : i32
        %dma_start3A_131 = tpu.memref_slice %arg11[%add3A_129, %dma_start3A_130] : memref<40x128xi32, #tpu.memory_space<vmem>> -> memref<1x128xi32, #tpu.memory_space<vmem>>
        %dma_start3A_132 = tpu.memref_squeeze %dma_start3A_131 : memref<1x128xi32, #tpu.memory_space<vmem>> -> memref<128xi32, #tpu.memory_space<vmem>>
        %dma_start3A_133 = arith.constant 0 : i32
        %dma_start3A_134 = arith.constant 0 : i32
        %dma_start3A_135 = tpu.memref_slice %arg6[%dma_start3A_133, %dma_start3A_134] : memref<10240x128xf32, #tpu.memory_space<hbm>> -> memref<10240x128xf32, #tpu.memory_space<hbm>>
        tpu.enqueue_indirect_dma source(%dma_start3A_135 : memref<10240x128xf32, #tpu.memory_space<hbm>>) target(%arg13 : memref<128x128xf32, #tpu.memory_space<vmem>>) offsets(%dma_start3A_132 : memref<128xi32, #tpu.memory_space<vmem>>) semaphore(%arg16 : memref<!tpu.dma_semaphore, #tpu.memory_space<semaphore_mem>>)
      } else {
      }
    }
    %scan3A_70 = arith.constant 20 : i32
    %barrier3A_71 = arith.constant 0 : index
    tpu.barrier barrier_id(%barrier3A_71)
    %mul3A_72 = arith.constant 640 : i32
    %mul3A_73 = arith.muli %arg1, %mul3A_72 : i32
    %mul3A_74 = arith.constant 640 : i32
    %mul3A_75 = arith.muli %arg1, %mul3A_74 : i32
    "tpu.region"() ({
      %run_scoped3A = tpu.sem_alloc : memref<!tpu.dma_semaphore, #tpu.memory_space<semaphore_mem>>
      %dma_start3A_76 = arith.constant 0 : i32
      %dma_start3A_77 = tpu.memref_slice %arg9[%arg0, %mul3A_75, %dma_start3A_76] : memref<2x10240x128xf32, #tpu.memory_space<hbm>> -> memref<1x640x128xf32, #tpu.memory_space<hbm>>
      %dma_start3A_78 = tpu.memref_squeeze %dma_start3A_77 : memref<1x640x128xf32, #tpu.memory_space<hbm>> -> memref<640x128xf32, #tpu.memory_space<hbm>>
      %dma_start3A_79 = arith.constant 0 : i32
      %dma_start3A_80 = tpu.memref_slice %arg14[%mul3A_73, %dma_start3A_79] : memref<10240x128xf32, #tpu.memory_space<vmem_shared>> -> memref<640x128xf32, #tpu.memory_space<vmem_shared>>
      tpu.enqueue_dma source(%dma_start3A_80 : memref<640x128xf32, #tpu.memory_space<vmem_shared>>) target(%dma_start3A_78 : memref<640x128xf32, #tpu.memory_space<hbm>>) target_semaphore(%run_scoped3A : memref<!tpu.dma_semaphore, #tpu.memory_space<semaphore_mem>>)
      %dma_wait3A = arith.constant 0 : i32
      %dma_wait3A_81 = tpu.memref_slice %arg9[%arg0, %mul3A_75, %dma_wait3A] : memref<2x10240x128xf32, #tpu.memory_space<hbm>> -> memref<1x640x128xf32, #tpu.memory_space<hbm>>
      %dma_wait3A_82 = tpu.memref_squeeze %dma_wait3A_81 : memref<1x640x128xf32, #tpu.memory_space<hbm>> -> memref<640x128xf32, #tpu.memory_space<hbm>>
      %dma_wait3A_83 = arith.constant 0 : i32
      %dma_wait3A_84 = tpu.memref_slice %arg14[%mul3A_73, %dma_wait3A_83] : memref<10240x128xf32, #tpu.memory_space<vmem_shared>> -> memref<640x128xf32, #tpu.memory_space<vmem_shared>>
      tpu.wait_dma2 semaphore(%run_scoped3A : memref<!tpu.dma_semaphore, #tpu.memory_space<semaphore_mem>>) src(%dma_wait3A_84 : memref<640x128xf32, #tpu.memory_space<vmem_shared>>) dst(%dma_wait3A_82 : memref<640x128xf32, #tpu.memory_space<hbm>>)
      tpu.yield
    }) : () -> ()
    return
  }
}

module attributes {stable_mosaic.version = 14 : i64} {
  func.func @_mm_scale_kernel(%arg0: i32, %arg1: memref<512x256xf32, #tpu.memory_space<vmem>>, %arg2: memref<256x256xf32, #tpu.memory_space<vmem>>, %arg3: memref<512x128xf32, #tpu.memory_space<vmem>>, %arg4: memref<512x128xf32, #tpu.memory_space<vmem>>, %arg5: memref<2x512x128xf32, #tpu.memory_space<vmem>>, %arg6: memref<512x128xf32, #tpu.memory_space<vmem>>) attributes {dimension_semantics = [#tpu.dimension_semantics<arbitrary>], iteration_bounds = array<i64: 20>, scalar_prefetch = 0 : i64, scratch_operands = 0 : i64, tpu.core_type = #tpu.core_type<tc>, window_params = [{transform_indices = @transform_0, window_bounds = array<i64: 512, 256>}, {pipeline_mode = #tpu.pipeline_mode<synchronous>, transform_indices = @transform_1, window_bounds = array<i64: 256, 256>}, {transform_indices = @transform_2, window_bounds = array<i64: 512, 128>}, {transform_indices = @transform_3, window_bounds = array<i64: 512, 128>}, {transform_indices = @transform_4, window_bounds = array<i64: 2, 512, 128>}, {transform_indices = @transform_5, window_bounds = array<i64: 512, 128>}]} {
    %get3A = arith.constant 0 : index
    %get3A_0 = arith.constant 0 : index
    %get3A_1 = vector.load %arg1[%get3A, %get3A_0] : memref<512x256xf32, #tpu.memory_space<vmem>>, vector<512x256xf32>
    %get3A_2 = arith.constant 0 : index
    %get3A_3 = arith.constant 0 : index
    %get3A_4 = vector.load %arg2[%get3A_2, %get3A_3] : memref<256x256xf32, #tpu.memory_space<vmem>>, vector<256x256xf32>
    %dot_general3A = arith.constant dense<0.000000e+00> : vector<512x256xf32>
    %dot_general3A_5 = tpu.matmul %get3A_1, %get3A_4, %dot_general3A {dimension_numbers = #tpu.dot_dimension_numbers<[1], [0], [0], [1], [0, 0, 1, 1], [], []>, transpose_lhs_hint = false} : vector<512x256xf32>, vector<256x256xf32>, vector<512x256xf32> -> vector<512x256xf32>
    %iota3A = tpu.iota {dimensions = array<i32: 0>} : vector<512x1xi32>
    %mul3A = arith.constant 512 : i32
    %mul3A_6 = arith.muli %arg0, %mul3A : i32
    %add3A = vector.broadcast %mul3A_6 : i32 to vector<512x1xi32>
    %add3A_7 = arith.addi %iota3A, %add3A : vector<512x1xi32>
    %get3A_8 = arith.constant 0 : index
    %get3A_9 = arith.constant 0 : index
    %get3A_10 = vector.load %arg3[%get3A_8, %get3A_9] : memref<512x128xf32, #tpu.memory_space<vmem>>, vector<512x1xf32>
    %get3A_11 = arith.constant 0 : index
    %get3A_12 = arith.constant 0 : index
    %get3A_13 = vector.load %arg4[%get3A_11, %get3A_12] : memref<512x128xf32, #tpu.memory_space<vmem>>, vector<512x1xf32>
    %add3A_14 = arith.addf %get3A_10, %get3A_13 : vector<512x1xf32>
    %lt3A = arith.constant 10000 : i32
    %lt3A_15 = vector.broadcast %lt3A : i32 to vector<512x1xi32>
    %lt3A_16 = arith.cmpi slt, %add3A_7, %lt3A_15 : vector<512x1xi32>
    %jit3A = arith.constant 1.000000e+00 : f32
    %jit3A_17 = arith.constant 0.000000e+00 : f32
    %broadcast_in_dim3A = vector.broadcast %jit3A : f32 to vector<512x1xf32>
    %broadcast_in_dim3A_18 = vector.broadcast %jit3A_17 : f32 to vector<512x1xf32>
    %select_n3A = arith.select %lt3A_16, %broadcast_in_dim3A, %broadcast_in_dim3A_18 : vector<512x1xi1>, vector<512x1xf32>
    %add3A_19 = arith.addf %add3A_14, %select_n3A : vector<512x1xf32>
    %gt3A = arith.constant 0.000000e+00 : f32
    %gt3A_20 = vector.broadcast %gt3A : f32 to vector<512x1xf32>
    %gt3A_21 = arith.cmpf ogt, %add3A_19, %gt3A_20 : vector<512x1xf32>
    %rsqrt3A = math.rsqrt %add3A_19 : vector<512x1xf32>
    %jit3A_22 = arith.constant 0.000000e+00 : f32
    %broadcast_in_dim3A_23 = vector.broadcast %jit3A_22 : f32 to vector<512x1xf32>
    %select_n3A_24 = arith.select %gt3A_21, %rsqrt3A, %broadcast_in_dim3A_23 : vector<512x1xi1>, vector<512x1xf32>
    %mul3A_25 = vector.broadcast %select_n3A_24 : vector<512x1xf32> to vector<512x256xf32>
    %mul3A_26 = arith.mulf %dot_general3A_5, %mul3A_25 : vector<512x256xf32>
    %slice3A = vector.extract_strided_slice %mul3A_26 {offsets = [0, 0], sizes = [512, 128], strides = [1, 1]} : vector<512x256xf32> to vector<512x128xf32>
    %swap3A = arith.constant 0 : index
    %swap3A_27 = arith.constant 0 : index
    %swap3A_28 = arith.constant 0 : index
    %swap3A_29 = vector.load %arg5[%swap3A, %swap3A_27, %swap3A_28] : memref<2x512x128xf32, #tpu.memory_space<vmem>>, vector<1x512x128xf32>
    %swap3A_30 = vector.shape_cast %swap3A_29 : vector<1x512x128xf32> to vector<512x128xf32>
    %swap3A_31 = vector.shape_cast %slice3A : vector<512x128xf32> to vector<1x512x128xf32>
    tpu.vector_store %arg5[%swap3A, %swap3A_27, %swap3A_28], %swap3A_31 {strides = array<i32>} : memref<2x512x128xf32, #tpu.memory_space<vmem>>, vector<1x512x128xf32>,
    %slice3A_32 = vector.extract_strided_slice %mul3A_26 {offsets = [0, 128], sizes = [512, 128], strides = [1, 1]} : vector<512x256xf32> to vector<512x128xf32>
    %swap3A_33 = arith.constant 1 : index
    %swap3A_34 = arith.constant 0 : index
    %swap3A_35 = arith.constant 0 : index
    %swap3A_36 = vector.load %arg5[%swap3A_33, %swap3A_34, %swap3A_35] : memref<2x512x128xf32, #tpu.memory_space<vmem>>, vector<1x512x128xf32>
    %swap3A_37 = vector.shape_cast %swap3A_36 : vector<1x512x128xf32> to vector<512x128xf32>
    %swap3A_38 = vector.shape_cast %slice3A_32 : vector<512x128xf32> to vector<1x512x128xf32>
    tpu.vector_store %arg5[%swap3A_33, %swap3A_34, %swap3A_35], %swap3A_38 {strides = array<i32>} : memref<2x512x128xf32, #tpu.memory_space<vmem>>, vector<1x512x128xf32>,
    %broadcast_in_dim3A_39 = vector.shape_cast %select_n3A_24 : vector<512x1xf32> to vector<512x1xf32>
    %broadcast_in_dim3A_40 = vector.broadcast %broadcast_in_dim3A_39 : vector<512x1xf32> to vector<512x128xf32>
    %swap3A_41 = arith.constant 0 : index
    %swap3A_42 = arith.constant 0 : index
    %swap3A_43 = vector.load %arg6[%swap3A_41, %swap3A_42] : memref<512x128xf32, #tpu.memory_space<vmem>>, vector<512x128xf32>
    tpu.vector_store %arg6[%swap3A_41, %swap3A_42], %broadcast_in_dim3A_40 {strides = array<i32>} : memref<512x128xf32, #tpu.memory_space<vmem>>, vector<512x128xf32>,
    return
  }
  func.func @transform_0(%arg0: i32) -> (i32, i32) {
    %c0_i32 = arith.constant 0 : i32
    %c0_i32_0 = arith.constant 0 : i32
    return %arg0, %c0_i32 : i32, i32
  }
  func.func @transform_1(%arg0: i32) -> (i32, i32) {
    %c0_i32 = arith.constant 0 : i32
    %c0_i32_0 = arith.constant 0 : i32
    %c0_i32_1 = arith.constant 0 : i32
    return %c0_i32, %c0_i32_0 : i32, i32
  }
  func.func @transform_2(%arg0: i32) -> (i32, i32) {
    %c0_i32 = arith.constant 0 : i32
    %c0_i32_0 = arith.constant 0 : i32
    return %arg0, %c0_i32 : i32, i32
  }
  func.func @transform_3(%arg0: i32) -> (i32, i32) {
    %c0_i32 = arith.constant 0 : i32
    %c0_i32_0 = arith.constant 0 : i32
    return %arg0, %c0_i32 : i32, i32
  }
  func.func @transform_4(%arg0: i32) -> (i32, i32, i32) {
    %c0_i32 = arith.constant 0 : i32
    %c0_i32_0 = arith.constant 0 : i32
    %c0_i32_1 = arith.constant 0 : i32
    return %c0_i32, %arg0, %c0_i32_0 : i32, i32, i32
  }
  func.func @transform_5(%arg0: i32) -> (i32, i32) {
    %c0_i32 = arith.constant 0 : i32
    %c0_i32_0 = arith.constant 0 : i32
    return %arg0, %c0_i32 : i32, i32
  }
}

module attributes {stable_mosaic.version = 14 : i64} {
  func.func @_final_kernel(%arg0: i32, %arg1: memref<512x128xf32, #tpu.memory_space<vmem>>, %arg2: memref<512x128xf32, #tpu.memory_space<vmem>>, %arg3: memref<512x128xf32, #tpu.memory_space<vmem>>, %arg4: memref<512x128xf32, #tpu.memory_space<vmem>>, %arg5: memref<512x128xf32, #tpu.memory_space<vmem>>, %arg6: memref<512x128xf32, #tpu.memory_space<vmem>>, %arg7: memref<512x128xf32, #tpu.memory_space<vmem>>, %arg8: memref<512x128xf32, #tpu.memory_space<vmem>>, %arg9: memref<1x256xf32, #tpu.memory_space<vmem>>, %arg10: memref<256x256xf32, #tpu.memory_space<vmem>>, %arg11: memref<1x256xf32, #tpu.memory_space<vmem>>, %arg12: memref<1x256xf32, #tpu.memory_space<vmem>>, %arg13: memref<1x256xf32, #tpu.memory_space<vmem>>) attributes {dimension_semantics = [#tpu.dimension_semantics<arbitrary>], iteration_bounds = array<i64: 20>, scalar_prefetch = 0 : i64, scratch_operands = 1 : i64, tpu.core_type = #tpu.core_type<tc>, window_params = [{transform_indices = @transform_0, window_bounds = array<i64: 512, 128>}, {transform_indices = @transform_1, window_bounds = array<i64: 512, 128>}, {transform_indices = @transform_2, window_bounds = array<i64: 512, 128>}, {transform_indices = @transform_3, window_bounds = array<i64: 512, 128>}, {transform_indices = @transform_4, window_bounds = array<i64: 512, 128>}, {transform_indices = @transform_5, window_bounds = array<i64: 512, 128>}, {transform_indices = @transform_6, window_bounds = array<i64: 512, 128>}, {transform_indices = @transform_7, window_bounds = array<i64: 512, 128>}, {pipeline_mode = #tpu.pipeline_mode<synchronous>, transform_indices = @transform_8, window_bounds = array<i64: 1, 256>}, {pipeline_mode = #tpu.pipeline_mode<synchronous>, transform_indices = @transform_9, window_bounds = array<i64: 256, 256>}, {pipeline_mode = #tpu.pipeline_mode<synchronous>, transform_indices = @transform_10, window_bounds = array<i64: 1, 256>}, {pipeline_mode = #tpu.pipeline_mode<synchronous>, transform_indices = @transform_11, window_bounds = array<i64: 1, 256>}]} {
    %eq3A = arith.constant 0 : i32
    %eq3A_0 = arith.cmpi eq, %arg0, %eq3A : i32
    %convert_element_type3A = arith.extui %eq3A_0 : i1 to i32
    %cond3A = arith.constant 0 : i32
    %cond3A_1 = arith.cmpi ne, %convert_element_type3A, %cond3A : i32
    scf.if %cond3A_1 {
      %broadcast_in_dim3A_72 = arith.constant 0.000000e+00 : f32
      %broadcast_in_dim3A_73 = vector.broadcast %broadcast_in_dim3A_72 : f32 to vector<1x256xf32>
      %swap3A_74 = arith.constant 0 : index
      %swap3A_75 = arith.constant 0 : index
      %swap3A_76 = vector.load %arg13[%swap3A_74, %swap3A_75] : memref<1x256xf32, #tpu.memory_space<vmem>>, vector<1x256xf32>
      tpu.vector_store %arg13[%swap3A_74, %swap3A_75], %broadcast_in_dim3A_73 {strides = array<i32>} : memref<1x256xf32, #tpu.memory_space<vmem>>, vector<1x256xf32>,
    } else {
    }
    %iota3A = tpu.iota {dimensions = array<i32: 0>} : vector<512x1xi32>
    %mul3A = arith.constant 512 : i32
    %mul3A_2 = arith.muli %arg0, %mul3A : i32
    %add3A = vector.broadcast %mul3A_2 : i32 to vector<512x1xi32>
    %add3A_3 = arith.addi %iota3A, %add3A : vector<512x1xi32>
    %lt3A = arith.constant 10000 : i32
    %lt3A_4 = vector.broadcast %lt3A : i32 to vector<512x1xi32>
    %lt3A_5 = arith.cmpi slt, %add3A_3, %lt3A_4 : vector<512x1xi32>
    %jit3A = arith.constant 1.000000e+00 : f32
    %jit3A_6 = arith.constant 0.000000e+00 : f32
    %broadcast_in_dim3A = vector.broadcast %jit3A : f32 to vector<512x1xf32>
    %broadcast_in_dim3A_7 = vector.broadcast %jit3A_6 : f32 to vector<512x1xf32>
    %select_n3A = arith.select %lt3A_5, %broadcast_in_dim3A, %broadcast_in_dim3A_7 : vector<512x1xi1>, vector<512x1xf32>
    %get3A = arith.constant 0 : index
    %get3A_8 = arith.constant 0 : index
    %get3A_9 = vector.load %arg5[%get3A, %get3A_8] : memref<512x128xf32, #tpu.memory_space<vmem>>, vector<512x1xf32>
    %get3A_10 = arith.constant 0 : index
    %get3A_11 = arith.constant 0 : index
    %get3A_12 = vector.load %arg6[%get3A_10, %get3A_11] : memref<512x128xf32, #tpu.memory_space<vmem>>, vector<512x1xf32>
    %add3A_13 = arith.addf %get3A_9, %get3A_12 : vector<512x1xf32>
    %add3A_14 = arith.addf %add3A_13, %select_n3A : vector<512x1xf32>
    %gt3A = arith.constant 0.000000e+00 : f32
    %gt3A_15 = vector.broadcast %gt3A : f32 to vector<512x1xf32>
    %gt3A_16 = arith.cmpf ogt, %add3A_14, %gt3A_15 : vector<512x1xf32>
    %rsqrt3A = math.rsqrt %add3A_14 : vector<512x1xf32>
    %jit3A_17 = arith.constant 0.000000e+00 : f32
    %broadcast_in_dim3A_18 = vector.broadcast %jit3A_17 : f32 to vector<512x1xf32>
    %select_n3A_19 = arith.select %gt3A_16, %rsqrt3A, %broadcast_in_dim3A_18 : vector<512x1xi1>, vector<512x1xf32>
    %get3A_20 = arith.constant 0 : index
    %get3A_21 = arith.constant 0 : index
    %get3A_22 = vector.load %arg7[%get3A_20, %get3A_21] : memref<512x128xf32, #tpu.memory_space<vmem>>, vector<512x1xf32>
    %get3A_23 = arith.constant 0 : index
    %get3A_24 = arith.constant 0 : index
    %get3A_25 = vector.load %arg8[%get3A_23, %get3A_24] : memref<512x128xf32, #tpu.memory_space<vmem>>, vector<512x1xf32>
    %add3A_26 = arith.addf %get3A_22, %get3A_25 : vector<512x1xf32>
    %add3A_27 = arith.addf %add3A_26, %select_n3A_19 : vector<512x1xf32>
    %mul3A_28 = arith.mulf %select_n3A_19, %add3A_27 : vector<512x1xf32>
    %mul3A_29 = arith.mulf %mul3A_28, %select_n3A : vector<512x1xf32>
    %get3A_30 = arith.constant 0 : index
    %get3A_31 = arith.constant 0 : index
    %get3A_32 = vector.load %arg1[%get3A_30, %get3A_31] : memref<512x128xf32, #tpu.memory_space<vmem>>, vector<512x128xf32>
    %get3A_33 = arith.constant 0 : index
    %get3A_34 = arith.constant 0 : index
    %get3A_35 = vector.load %arg2[%get3A_33, %get3A_34] : memref<512x128xf32, #tpu.memory_space<vmem>>, vector<512x128xf32>
    %concatenate3A = tpu.concatenate %get3A_32, %get3A_35 in 1 : vector<512x128xf32>, vector<512x128xf32> -> vector<512x256xf32>
    %get3A_36 = arith.constant 0 : index
    %get3A_37 = arith.constant 0 : index
    %get3A_38 = vector.load %arg3[%get3A_36, %get3A_37] : memref<512x128xf32, #tpu.memory_space<vmem>>, vector<512x128xf32>
    %get3A_39 = arith.constant 0 : index
    %get3A_40 = arith.constant 0 : index
    %get3A_41 = vector.load %arg4[%get3A_39, %get3A_40] : memref<512x128xf32, #tpu.memory_space<vmem>>, vector<512x128xf32>
    %concatenate3A_42 = tpu.concatenate %get3A_38, %get3A_41 in 1 : vector<512x128xf32>, vector<512x128xf32> -> vector<512x256xf32>
    %add3A_43 = arith.addf %concatenate3A, %concatenate3A_42 : vector<512x256xf32>
    %mul3A_44 = vector.broadcast %select_n3A_19 : vector<512x1xf32> to vector<512x256xf32>
    %mul3A_45 = arith.mulf %mul3A_44, %add3A_43 : vector<512x256xf32>
    %get3A_46 = arith.constant 0 : index
    %get3A_47 = arith.constant 0 : index
    %get3A_48 = vector.load %arg9[%get3A_46, %get3A_47] : memref<1x256xf32, #tpu.memory_space<vmem>>, vector<1x256xf32>
    %add3A_49 = vector.broadcast %get3A_48 : vector<1x256xf32> to vector<512x256xf32>
    %add3A_50 = arith.addf %mul3A_45, %add3A_49 : vector<512x256xf32>
    %gt3A_51 = arith.constant 0.000000e+00 : f32
    %gt3A_52 = vector.broadcast %gt3A_51 : f32 to vector<512x256xf32>
    %gt3A_53 = arith.cmpf ogt, %add3A_50, %gt3A_52 : vector<512x256xf32>
    %exp3A = math.exp %add3A_50 : vector<512x256xf32>
    %sub3A = arith.constant 1.000000e+00 : f32
    %sub3A_54 = vector.broadcast %sub3A : f32 to vector<512x256xf32>
    %sub3A_55 = arith.subf %exp3A, %sub3A_54 : vector<512x256xf32>
    %select_n3A_56 = arith.select %gt3A_53, %add3A_50, %sub3A_55 : vector<512x256xi1>, vector<512x256xf32>
    %get3A_57 = arith.constant 0 : index
    %get3A_58 = arith.constant 0 : index
    %get3A_59 = vector.load %arg13[%get3A_57, %get3A_58] : memref<1x256xf32, #tpu.memory_space<vmem>>, vector<1x256xf32>
    %mul3A_60 = vector.broadcast %mul3A_29 : vector<512x1xf32> to vector<512x256xf32>
    %mul3A_61 = arith.mulf %select_n3A_56, %mul3A_60 : vector<512x256xf32>
    %reduce_sum3A = arith.constant dense<0.000000e+00> : vector<256xf32>
    %reduce_sum3A_62 = vector.multi_reduction <add>, %mul3A_61, %reduce_sum3A [0] : vector<512x256xf32> to vector<256xf32>
    %broadcast_in_dim3A_63 = vector.shape_cast %reduce_sum3A_62 : vector<256xf32> to vector<1x256xf32>
    %add3A_64 = arith.addf %get3A_59, %broadcast_in_dim3A_63 : vector<1x256xf32>
    %swap3A = arith.constant 0 : index
    %swap3A_65 = arith.constant 0 : index
    %swap3A_66 = vector.load %arg13[%swap3A, %swap3A_65] : memref<1x256xf32, #tpu.memory_space<vmem>>, vector<1x256xf32>
    tpu.vector_store %arg13[%swap3A, %swap3A_65], %add3A_64 {strides = array<i32>} : memref<1x256xf32, #tpu.memory_space<vmem>>, vector<1x256xf32>,
    %eq3A_67 = arith.constant 19 : i32
    %eq3A_68 = arith.cmpi eq, %arg0, %eq3A_67 : i32
    %convert_element_type3A_69 = arith.extui %eq3A_68 : i1 to i32
    %cond3A_70 = arith.constant 0 : i32
    %cond3A_71 = arith.cmpi ne, %convert_element_type3A_69, %cond3A_70 : i32
    scf.if %cond3A_71 {
      %get3A_72 = arith.constant 0 : index
      %get3A_73 = arith.constant 0 : index
      %get3A_74 = vector.load %arg13[%get3A_72, %get3A_73] : memref<1x256xf32, #tpu.memory_space<vmem>>, vector<1x256xf32>
      %get3A_75 = arith.constant 0 : index
      %get3A_76 = arith.constant 0 : index
      %get3A_77 = vector.load %arg10[%get3A_75, %get3A_76] : memref<256x256xf32, #tpu.memory_space<vmem>>, vector<256x256xf32>
      %dot_general3A = arith.constant dense<0.000000e+00> : vector<1x256xf32>
      %dot_general3A_78 = tpu.matmul %get3A_74, %get3A_77, %dot_general3A {dimension_numbers = #tpu.dot_dimension_numbers<[1], [0], [0], [1], [0, 0, 1, 1], [], []>, transpose_lhs_hint = false} : vector<1x256xf32>, vector<256x256xf32>, vector<1x256xf32> -> vector<1x256xf32>
      %mul3A_79 = arith.constant 9.99999974E-5 : f32
      %mul3A_80 = vector.broadcast %mul3A_79 : f32 to vector<1x256xf32>
      %mul3A_81 = arith.mulf %dot_general3A_78, %mul3A_80 : vector<1x256xf32>
      %get3A_82 = arith.constant 0 : index
      %get3A_83 = arith.constant 0 : index
      %get3A_84 = vector.load %arg11[%get3A_82, %get3A_83] : memref<1x256xf32, #tpu.memory_space<vmem>>, vector<1x256xf32>
      %add3A_85 = arith.addf %mul3A_81, %get3A_84 : vector<1x256xf32>
      %swap3A_86 = arith.constant 0 : index
      %swap3A_87 = arith.constant 0 : index
      %swap3A_88 = vector.load %arg12[%swap3A_86, %swap3A_87] : memref<1x256xf32, #tpu.memory_space<vmem>>, vector<1x256xf32>
      tpu.vector_store %arg12[%swap3A_86, %swap3A_87], %add3A_85 {strides = array<i32>} : memref<1x256xf32, #tpu.memory_space<vmem>>, vector<1x256xf32>,
    } else {
    }
    return
  }
  func.func @transform_0(%arg0: i32) -> (i32, i32) {
    %c0_i32 = arith.constant 0 : i32
    %c0_i32_0 = arith.constant 0 : i32
    return %arg0, %c0_i32 : i32, i32
  }
  func.func @transform_1(%arg0: i32) -> (i32, i32) {
    %c0_i32 = arith.constant 0 : i32
    %c0_i32_0 = arith.constant 0 : i32
    return %arg0, %c0_i32 : i32, i32
  }
  func.func @transform_2(%arg0: i32) -> (i32, i32) {
    %c0_i32 = arith.constant 0 : i32
    %c0_i32_0 = arith.constant 0 : i32
    return %arg0, %c0_i32 : i32, i32
  }
  func.func @transform_3(%arg0: i32) -> (i32, i32) {
    %c0_i32 = arith.constant 0 : i32
    %c0_i32_0 = arith.constant 0 : i32
    return %arg0, %c0_i32 : i32, i32
  }
  func.func @transform_4(%arg0: i32) -> (i32, i32) {
    %c0_i32 = arith.constant 0 : i32
    %c0_i32_0 = arith.constant 0 : i32
    return %arg0, %c0_i32 : i32, i32
  }
  func.func @transform_5(%arg0: i32) -> (i32, i32) {
    %c0_i32 = arith.constant 0 : i32
    %c0_i32_0 = arith.constant 0 : i32
    return %arg0, %c0_i32 : i32, i32
  }
  func.func @transform_6(%arg0: i32) -> (i32, i32) {
    %c0_i32 = arith.constant 0 : i32
    %c0_i32_0 = arith.constant 0 : i32
    return %arg0, %c0_i32 : i32, i32
  }
  func.func @transform_7(%arg0: i32) -> (i32, i32) {
    %c0_i32 = arith.constant 0 : i32
    %c0_i32_0 = arith.constant 0 : i32
    return %arg0, %c0_i32 : i32, i32
  }
  func.func @transform_8(%arg0: i32) -> (i32, i32) {
    %c0_i32 = arith.constant 0 : i32
    %c0_i32_0 = arith.constant 0 : i32
    %c0_i32_1 = arith.constant 0 : i32
    return %c0_i32, %c0_i32_0 : i32, i32
  }
  func.func @transform_9(%arg0: i32) -> (i32, i32) {
    %c0_i32 = arith.constant 0 : i32
    %c0_i32_0 = arith.constant 0 : i32
    %c0_i32_1 = arith.constant 0 : i32
    return %c0_i32, %c0_i32_0 : i32, i32
  }
  func.func @transform_10(%arg0: i32) -> (i32, i32) {
    %c0_i32 = arith.constant 0 : i32
    %c0_i32_0 = arith.constant 0 : i32
    %c0_i32_1 = arith.constant 0 : i32
    return %c0_i32, %c0_i32_0 : i32, i32
  }
  func.func @transform_11(%arg0: i32) -> (i32, i32) {
    %c0_i32 = arith.constant 0 : i32
    %c0_i32_0 = arith.constant 0 : i32
    %c0_i32_1 = arith.constant 0 : i32
    return %c0_i32, %c0_i32_0 : i32, i32
  }
}

</mosaic_0001>

<sc_bundles>
// kernel: kernel.6.cloned.1.call-start
scs
__scs_entry_jumppad:
0x0: {  	(pc) =	sbr.rel $0x88, $3  }
0x1: {  	(tag) =	ssettag $0x0;
	lr =	simm.s32 $0x1  }
0x2: {  	[smem:$0x3F9B] =	sst lr;
	_ =	strace $0xD0000000  }
0x3: {  	_ = 	snop  }
0x4: {  	_ = 	snop  }
0x5: {  	_ = 	snop  }
0x6: {  	_ = 	snop  }
0x7: {  	_ = 	snop  }
__scs_overlays_trampoline_lowered:
0x8: {  	[smem:$0x3FAA] =	sst s0  }
0x9: {  	[smem:$0x3FAB] =	sst s1  }
0xa: {  	[smem:$0x3FAC] =	sst s2  }
0xb: {  	[smem:$0x3FAD] =	sst s3  }
0xc: {  	[smem:$0x3FAE] =	sst s4  }
0xd: {  	[smem:$0x3FAF] =	sst s5  }
0xe: {  	[smem:$0x3FB0] =	sst s6  }
0xf: {  	[smem:$0x3FB1] =	sst s7  }
0x10: {  	[smem:$0x3FB2] =	sst s8  }
0x11: {  	[smem:$0x3FB3] =	sst s9;
	s0 =	simm.s32 @!p0 $0x0  }
0x12: {  	s1 =	sld [smem:$0x3F99];
	s0 =	simm.s32 @p0 $0x1  }
0x13: {  	[smem:$0x3FB4] =	sst s0;
	s0 =	simm.s32 @!p1 $0x0  }
0x14: {  	s2 =	sld [smem:$0x3F98];
	s0 =	simm.s32 @p1 $0x1  }
0x15: {  	[smem:$0x3FB5] =	sst s0;
	s0 =	simm.s32 @!p2 $0x0  }
0x16: {  	s3 =	sld [smem:$0x3FDB];
	s0 =	simm.s32 @p2 $0x1  }
0x17: {  	s4 =	simm.s32 $0x1BF5;
	[smem:$0x3FB7] =	sst s0  }
0x18: {  	s0 =	sld [smem:$0x3F9A];
	_ =	swait.ge [sflag:s4], $0x0  }
0x19: {  	s7 =	sld [smem:$0x3F9B]  }
0x1a: {  	s8 =	sadd.s32 $0xFFFFE003, lr  }
0x1b: {  	s9 =	sadd.s32 $0xFFFFFEF7, lr;
	s5 =	simm.s32 $0xFFFFFFFF;
	p2 =	slt.u32 s8, $0xFFFFF086  }
0x1c: {  	p1 =	slt.u32 s9, $0xF7A;
	s5 =	simm.s32 @!p2 $0x0  }
0x1d: {  	s5 =	simm.s32 @p1 $0x1;
	p0 =	seq.s32 s7, s2  }
0x1e: {  	s7 =	smul.u32 @!p0 $0xF7A, s2;
	p2 =	seq.s32 @!p0 s5, $0x0  }
0x1f: {  	s9 =	smul.u32 $0xF7A, s1;
	s8 =	simm.s32 @!p0 $0x1BF5;
	p2 =	por !p2, p0  }
0x20: {  	[sflag:s8] =	ssyncset.s32 @!p0 $0xFFFFF086;
	s6 =	sadd.s32 @!p0 s3, s7;
	s7 =	simm.s32 @!p0 $0x108  }
0x21: {  	s3 =	sadd.s32 s3, s9;
	s6 =	sadd.s32 @!p0 $0x88, s6;
	s7 =	simm.s32 @p2 $0x1082  }
0x22: {  	[simem:s7], [sflag:s8] =	dma.local @!p0 [hbm:s6], $0xF7A  }
0x23: {  	s9 =	sor.u32 $0xD0000000, s2;
	s6 =	simm.s32 $0x108;
	_ =	swait.ge @!p0 [sflag:s8], $0x0  }
0x24: {  	s3 =	sadd.s32 $0x88, s3;
	s6 =	simm.s32 @!p1 $0x1082;
	[sflag:s4] =	ssyncset.s32 $0xFFFFF086  }
0x25: {  	[simem:s6], [sflag:s4] =	dma.local [hbm:s3], $0xF7A  }
0x26: {  	[smem:$0x3F9B] =	sst s1;
	(tag) =	ssettag s2;
	_ =	strace s9  }
0x27: {  	s1 =	sld [smem:$0x3FAB]  }
0x28: {  	s2 =	sld [smem:$0x3FAC]  }
0x29: {  	s4 =	sld [smem:$0x3FAE]  }
0x2a: {  	p0 =	seq.s32 s5, $0x0;
	s5 =	sld [smem:$0x3FAF]  }
0x2b: {  	s6 =	sld [smem:$0x3FB0]  }
0x2c: {  	s7 =	sld [smem:$0x3FB1]  }
0x2d: {  	s3 =	simm.s32 $0x108;
	s8 =	sld [smem:$0x3FB2]  }
0x2e: {  	s3 =	simm.s32 @!p0 $0x1082;
	s9 =	sld [smem:$0x3FB3]  }
0x2f: {  	lr =	sadd.s32 s0, s3;
	s0 =	sld [smem:$0x3FAA]  }
0x30: {  	s3 =	sld [smem:$0x3FAD]  }
0x31: {  	[smem:$0x3FB6] =	sst s10  }
0x32: {  	s10 =	sld [smem:$0x3FB4];
	_ =	sdelay $0x3  }
0x33: {  	p0 =	seq.s32 s10, $0x1;
	s10 =	sld [smem:$0x3FB6];
	_ =	sdelay $0x3  }
0x34: {  	[smem:$0x3FB6] =	sst s10  }
0x35: {  	s10 =	sld [smem:$0x3FB5];
	_ =	sdelay $0x3  }
0x36: {  	p1 =	seq.s32 s10, $0x1;
	s10 =	sld [smem:$0x3FB6];
	_ =	sdelay $0x3  }
0x37: {  	[smem:$0x3FB6] =	sst s10  }
0x38: {  	s10 =	sld [smem:$0x3FB7]  }
0x39: {  	_ = 	snop;
	(pc) =	sbr.ind lr, $3  }
0x3a: {  	_ = 	snop  }
0x3b: {  	_ = 	snop  }
0x3c: {  	p2 =	seq.s32 s10, $0x1;
	s10 =	sld [smem:$0x3FB6]  }
0x3d: {  	_ =	shalt  }
0x3e: {  	_ =	shalt  }
0x3f: {  	_ =	shalt  }
0x40: {  	_ =	shalt  }
0x41: {  	_ =	shalt  }
0x42: {  	_ =	shalt  }
0x43: {  	_ =	shalt  }
0x44: {  	_ =	shalt  }
0x45: {  	_ =	shalt  }
0x46: {  	_ =	shalt  }
0x47: {  	_ =	shalt  }
0x48: {  	_ =	shalt  }
0x49: {  	_ =	shalt  }
0x4a: {  	_ =	shalt  }
0x4b: {  	_ =	shalt  }
0x4c: {  	_ =	shalt  }
0x4d: {  	_ =	shalt  }
0x4e: {  	_ =	shalt  }
0x4f: {  	_ =	shalt  }
0x50: {  	_ =	shalt  }
0x51: {  	_ =	shalt  }
0x52: {  	_ =	shalt  }
0x53: {  	_ =	shalt  }
0x54: {  	_ =	shalt  }
0x55: {  	_ =	shalt  }
0x56: {  	_ =	shalt  }
0x57: {  	_ =	shalt  }
0x58: {  	_ =	shalt  }
0x59: {  	_ =	shalt  }
0x5a: {  	_ =	shalt  }
0x5b: {  	_ =	shalt  }
0x5c: {  	_ =	shalt  }
0x5d: {  	_ =	shalt  }
0x5e: {  	_ =	shalt  }
0x5f: {  	_ =	shalt  }
0x60: {  	_ =	shalt  }
0x61: {  	_ =	shalt  }
0x62: {  	_ =	shalt  }
0x63: {  	_ =	shalt  }
0x64: {  	_ =	shalt  }
0x65: {  	_ =	shalt  }
0x66: {  	_ =	shalt  }
0x67: {  	_ =	shalt  }
0x68: {  	_ =	shalt  }
0x69: {  	_ =	shalt  }
0x6a: {  	_ =	shalt  }
0x6b: {  	_ =	shalt  }
0x6c: {  	_ =	shalt  }
0x6d: {  	_ =	shalt  }
0x6e: {  	_ =	shalt  }
0x6f: {  	_ =	shalt  }
0x70: {  	_ =	shalt  }
0x71: {  	_ =	shalt  }
0x72: {  	_ =	shalt  }
0x73: {  	_ =	shalt  }
0x74: {  	_ =	shalt  }
0x75: {  	_ =	shalt  }
0x76: {  	_ =	shalt  }
0x77: {  	_ =	shalt  }
0x78: {  	_ =	shalt  }
0x79: {  	_ =	shalt  }
0x7a: {  	_ =	shalt  }
0x7b: {  	_ =	shalt  }
0x7c: {  	_ =	shalt  }
0x7d: {  	_ =	shalt  }
0x7e: {  	_ =	shalt  }
0x7f: {  	_ =	shalt  }
0x80: {  	_ =	shalt  }
0x81: {  	_ =	shalt  }
0x82: {  	_ =	shalt  }
0x83: {  	_ =	shalt  }
0x84: {  	_ =	shalt  }
0x85: {  	_ =	shalt  }
0x86: {  	_ =	shalt  }
0x87: {  	_ =	shalt  }
.Lfunc_end0:
.L_simem_size_0:
called_computation_lowered:
.L_overlay_start_0:
0x88: {  	s2 =	sld [smem:$0x3FD9]  }
0x89: {  	s3 =	sld [smem:$0x3FFE];
	_ =	sdelay $0x1  }
0x8a: {  	s1 =	srdreg.scid  }
0x8b: {  	s0 =	sand.u32 $0x1, s1  }
0x8c: {  	s16 =	sshll.u32 s0, $0xA;
	s2 =	sadd.s32 s3, s2  }
0x8d: {  	s2 =	sadd.s32 s2, s16  }
0x8e: {  	[smem:$0x3FC2] =	sst s2  }
0x8f: {  	_ = 	snop  }
0x90: {  	(tm) =	ssettm $0x1  }
0x91: {  	s17 =	sld [smem:$0x3FFB];
	_ =	sdelay $0x3  }
0x92: {  	_ =	strace s17  }
0x93: {  	s2 =	sld [smem:$0x3FFC];
	_ =	sdelay $0x3  }
0x94: {  	_ =	strace s2  }
0x95: {  	s2 =	sld [smem:$0x3FFD];
	_ =	sdelay $0x3  }
0x96: {  	_ =	strace s2  }
0x97: {  	_ =	strace $0x8FFFFFFF  }
0x98: {  	s18 =	sld [smem:$0x3FDB];
	_ =	sdelay $0x1  }
0x99: {  	s19 =	simm.s32 $_scs_section_size  }
0x9a: {  	s4 =	simm.s32 $_size__tile_overlayer_lowered;
	s5 =	simm.s32 $_tile_overlayer_lowered  }
0x9b: {  	s22 =	simm.s32 $0x1BFF;
	s21 =	sshll.u32 s5, $0x1;
	s2 =	sadd.s32 s19, s18  }
0x9c: {  	s6 =	simm.s32 $0x0;
	s20 =	sshll.u32 s4, $0x1;
	s4 =	sadd.s32 s21, s2  }
0x9d: {  	[timem:s6], [sflag:s22] =	dma.local [hbm:s4], s20  }
0x9e: {  	_ =	swait.ge [sflag:s22], s20  }
0x9f: {  	s3 =	ssub.s32 $0x0, s20;
	[sflag:s22] =	ssyncset.done $0x0  }
0xa0: {  	[sflag:s22] =	ssyncadd.s32 s3;
	_ =	sdelay $0x1  }
0xa1: {  	s23 =	simm.s32 $0x1B8B  }
0xa2: {  	_ =	swait.ge [sflag:s23], $0x1  }
0xa3: {  	[sflag:s23] =	ssyncset.done $0x0  }
0xa4: {  	s25 =	simm.s32 $0x1B8E;
	s24 =	sld [smem:$0x3FFE];
	[sflag:s23] =	ssyncadd.s32 $0xFFFFFFFF  }
0xa5: {  	s26 =	simm.s32 $execute0_lowered;
	[smem:$0x3FD2] =	sst s25  }
0xa6: {  	s4 =	sshll.u32 s26, $0x1;
	_ =	strace $0x80000046;
	[dreg:$0x1] =	wrdreg $0xFFFFFFFF  }
0xa7: {  	s28 =	simm.s32 $_size_execute0_lowered;
	s2 =	sadd.s32 s2, s4;
	[dreg:$0x0] =	wrdreg $0x0  }
0xa8: {  	s4 =	sshll.u32 s28, $0x1;
	[dreg:$0x2] =	wrdreg s2  }
0xa9: {  	[dreg:$0x3] =	wrdreg s4  }
0xaa: {  	[dreg:$0x4] =	wrdreg $0xC0  }
0xab: {  	_ =	task [dreg:s6], $0x5FFFF  }
0xac: {  	[dreg:$0x1] =	wrdreg $0xFFFFFFFF  }
0xad: {  	[dreg:$0x0] =	wrdreg $0x60  }
0xae: {  	[dreg:$0x2] =	wrdreg s24  }
0xaf: {  	[dreg:$0x3] =	wrdreg $0x54000  }
0xb0: {  	[dreg:$0x4] =	wrdreg $0x9  }
0xb1: {  	_ =	task.clear_ibuf [dreg:s6], $0x5FFFF;
	_ =	strace $0x90000046  }
0xb2: {  	s29 =	simm.s32 $0x9;
	_ =	strace $0x80000048  }
0xb3: {  	_ =	swait.ge [sflag:s29], $0x1  }
0xb4: {  	[sflag:s29] =	ssyncadd.s32 $0xFFFFFFFF  }
0xb5: {  	_ =	strace $0x90000048  }
0xb6: {  	_ =	sfence  }
0xb7: {  	s30 =	sld [smem:$0x0];
	_ =	sdelay $0x2  }
0xb8: {  	s31 =	sshll.u32 s1, $0xD;
	s1 =	sshrl.u32 s1, $0x2  }
0xb9: {  	s3 =	sand.u32 $0x4000, s31;
	s1 =	sadd.s32 s1, s30  }
0xba: {  	s0 =	sor.u32 s3, s0;
	s1 =	sshll.u32 s1, $0x11  }
0xbb: {  	s0 =	sor.u32 s1, s0  }
0xbc: {  	s0 =	sadd.s32 $0x8F2B, s0  }
0xbd: {  	[sflag:s0] =	ssyncadd.remote.s32 $0x1  }
0xbe: {  	_ =	sfence.sel $0xFFFF  }
0xbf: {  	[dreg:$0x0] =	wrdreg $0xFFFFFFFF;
	(pc) =	sbr.abs _section_cstart, $3  }
0xc0: {  	[dreg:$0x1] =	wrdreg $0xFFFFFFFF  }
0xc1: {  	_ =	task.clear_ibuf [dreg:s6], $0x2FFFF;
	_ =	strace $0x9FFFFFFF  }
0xc2: {  	(tm) =	ssettm $0x7FFFFFFF  }
0xc3: {  	_ =	shalt  }
tec
execute0_lowered:
.L_overlay_start_1:
0x0: {  	(tag) =	ssettag $0x1  }
0x1: {  	s1 =	srdreg.scid;
	s0 =	stileid.u32  }
0x2: {  	s6 =	rddreg [dreg:$0x0];
	s4 =	smul.u32 $0x2800, s0  }
0x3: {  	s2 =	rddreg [dreg:$0x1];
	s3 =	simm.s32 $0x0;
	s8 =	smul.u32 $0x14000, s0  }
0x4: {  	s13 =	simm.s32 $0x80;
	s7 =	sand.u32 $0x1, s1;
	s10 =	smul.u32 $0x50000, s0  }
0x5: {  	s14 =	simm.s32 $0x0;
	s1 =	rddreg [dreg:$0x2];
	s5 =	smul.u32 $0x1400, s7  }
0x6: {  	[smem:$0x7FF] =	sst s3;
	s29 =	smul.u32 $0x140000, s7;
	s7 =	ssub.s32 $0x2, s7  }
0x7: {  	s31 =	sshll.u32 s0, $0x6;
	_ =	strace $0x80000047;
	s30 =	sshrl.u32 s7, $0x1  }
0x8: {  	s10 =	sshrl.u32 s10, $0x2;
	s4 =	sadd.s32 s5, s4;
	s8 =	sadd.s32 s8, s29  }
0x9: {  	s5 =	sadd.s32 $0x8200, s6;
	s11 =	ssub.s32 s7, s30;
	s12 =	sadd.s32 s10, s2  }
0xa: {  	s10 =	simm.s32 $0x1400;
	s4 =	sshrl.u32 s4, $0x3;
	s8 =	sshrl.u32 s8, $0x3  }
0xb: {  	s12 =	sshrl.u32 s12, $0x3;
	s9 =	sadd.s32 s4, s6;
	s8 =	sadd.s32 s8, s6  }
0xc: {  	s4 =	sadd.s32 $0x7A00, s6;
	s6 =	sadd.s32 $0x2A00, s9;
	s7 =	sadd.s32 $0xAA00, s8  }
0xd: {  	s8 =	smax.u32 s11, $0x1;
	s9 =	simm.s32 $0x1;
	s11 =	sor.u32 $0x1C01, s31  }
.LBB2_1:
0xe: {  	[tilespmem:s3], [sflag:$0x1] =	stream.linear.gather [hbm4b:s6+s3], $0x1400, $0x38;
	[tilespmem:$0x19400] =	vst v63  }
0xf: {  	_ =	swait.ge [sflag:s9], $0x1400  }
0x10: {  	[sflag:s9] =	ssyncset.done $0x0  }
0x11: {  	[sflag:s9] =	ssyncadd.s32 $0xFFFFEC00  }
0x12: {  	[tilespmem:s10], [sflag:$0x1] =	stream.linear.gather [hbm4b:s4+s3], $0x4000, $0x38;
	[tilespmem:$0x19400] =	vst v63  }
0x13: {  	_ =	swait.ge [sflag:s9], $0x4000  }
0x14: {  	[sflag:s9] =	ssyncset.done $0x0  }
0x15: {  	[sflag:s9] =	ssyncadd.s32 $0xFFFFC000  }
0x16: {  	[spmem:s12], [sflag:s11] =	dma.local [hbm:s5], $0x2800  }
0x17: {  	_ =	swait.ge [sflag:s9], $0x2800  }
0x18: {  	[sflag:s9] =	ssyncset.done $0x0  }
0x19: {  	[sflag:s9] =	ssyncadd.s32 $0xFFFFD800  }
0x1a: {  	s15 =	simm.s32 $0x0;
	[bflag:$0x0] =	sbarrier.arrive $0xFFFF  }
0x1b: {  	[spmem:s2] =	stream.indirect.scatter.add.f32 [tilespmem:s10], [sflag:$0x1], $0x80, s15, s13, $0xb8;
	[tilespmem:$0x19400] =	vst v63  }
0x1c: {  	_ =	swait.ge [sflag:s9], $0x4000  }
0x1d: {  	s15 =	simm.s32 $0x200;
	[sflag:s9] =	ssyncset.done $0x0  }
.LBB2_2:
0x1e: {  	s16 =	sshra.s32 s15, $0x2;
	[sflag:s9] =	ssyncadd.s32 $0xFFFFC000;
	p0 =	sne.s32 s15, $0x4E00  }
0x1f: {  	[spmem:s2] =	stream.indirect.scatter.add.f32 [tilespmem:s10], [sflag:$0x1], $0x80, s16, s13, $0xb8;
	[tilespmem:$0x19400] =	vst v63  }
.Ltmp0:
0x20: {  	_ = 	snop;
	(pc) =	sbr.rel @p0 .LBB2_2-.Ltmp0, $4  }
0x21: {  	_ = 	snop  }
0x22: {  	s15 =	sadd.s32 $0x200, s15  }
0x23: {  	_ =	swait.ge [sflag:s9], $0x4000  }
0x24: {  	[sflag:s9] =	ssyncset.done $0x0  }
0x25: {  	s14 =	sadd.s32 $0x1, s14  }
0x26: {  	[sflag:s9] =	ssyncadd.s32 $0xFFFFC000;
	p0 =	sne.s32 s14, s8  }
.Ltmp1:
0x27: {  	[bflag:$0x0] =	sbarrier.arrive $0xFFFF;
	(pc) =	sbr.rel @p0 .LBB2_1-.Ltmp1, $4  }
0x28: {  	[hbm:s7], [sflag:s11] =	dma.local [spmem:s12], $0x2800  }
0x29: {  	_ =	swait.ge [sflag:s9], $0x2800  }
0x2a: {  	[sflag:s9] =	ssyncset.done $0x0  }
0x2b: {  	[sflag:s9] =	ssyncadd.s32 $0xFFFFD800  }
0x2c: {  	_ =	sfence.sel $0x180000  }
0x2d: {  	[bflag:$0x0] =	sbarrier.arrive $0xFFFF  }
0x2e: {  	p0 =	sne.s32 s0, $0x0;
	_ =	strace $0x90000047  }
0x2f: {  	s0 =	sadd.s32 @!p0 $0x100000, s1;
	[bflag:$0x2] =	sbarrier.arrive $0xFFFF  }
0x30: {  	[sflag:s0] =	ssyncadd.tile.s32 @!p0 $0x1;
	_ =	shalt  }
.Lfunc_end2:
_tile_overlayer_lowered:
.L_overlay_start_2:
0x31: {  	(tag) =	ssettag $0x2  }
0x32: {  	s0 =	rddreg [dreg:$0x0];
	s2 =	stileid.u32  }
0x33: {  	s1 =	rddreg [dreg:$0x1];
	p0 =	sne.s32 s2, $0x0  }
0x34: {  	s3 =	rddreg [dreg:$0x2];
	[bflag:$0x3] =	sbarrier.arrive $0xFFFF;
	s2 =	simm.s32 @!p0 $0x1C01  }
0x35: {  	[timem:s3], [sflag:s2] =	dma.local @!p0 [hbm:s0], s1  }
0x36: {  	s0 =	simm.s32 @!p0 $0x1  }
0x37: {  	_ =	swait.ge @!p0 [sflag:s0], s1  }
0x38: {  	s1 =	ssub.s32 @!p0 $0x0, s1;
	[sflag:s0] =	ssyncset.done @!p0 $0x0  }
0x39: {  	[sflag:s0] =	ssyncadd.s32 @!p0 s1  }
0x3a: {  	[bflag:$0x3] =	sbarrier.arrive $0xFFFF  }
0x3b: {  	_ =	shalt  }

// kernel: kernel.9.cloned.1.call-start
scs
__scs_entry_jumppad:
0x0: {  	(pc) =	sbr.rel $0x88, $3  }
0x1: {  	(tag) =	ssettag $0x0;
	lr =	simm.s32 $0x1  }
0x2: {  	[smem:$0x3F9B] =	sst lr;
	_ =	strace $0xD0000000  }
0x3: {  	_ = 	snop  }
0x4: {  	_ = 	snop  }
0x5: {  	_ = 	snop  }
0x6: {  	_ = 	snop  }
0x7: {  	_ = 	snop  }
__scs_overlays_trampoline_lowered:
0x8: {  	[smem:$0x3FAA] =	sst s0  }
0x9: {  	[smem:$0x3FAB] =	sst s1  }
0xa: {  	[smem:$0x3FAC] =	sst s2  }
0xb: {  	[smem:$0x3FAD] =	sst s3  }
0xc: {  	[smem:$0x3FAE] =	sst s4  }
0xd: {  	[smem:$0x3FAF] =	sst s5  }
0xe: {  	[smem:$0x3FB0] =	sst s6  }
0xf: {  	[smem:$0x3FB1] =	sst s7  }
0x10: {  	[smem:$0x3FB2] =	sst s8  }
0x11: {  	[smem:$0x3FB3] =	sst s9;
	s0 =	simm.s32 @!p0 $0x0  }
0x12: {  	s1 =	sld [smem:$0x3F99];
	s0 =	simm.s32 @p0 $0x1  }
0x13: {  	[smem:$0x3FB4] =	sst s0;
	s0 =	simm.s32 @!p1 $0x0  }
0x14: {  	s2 =	sld [smem:$0x3F98];
	s0 =	simm.s32 @p1 $0x1  }
0x15: {  	[smem:$0x3FB5] =	sst s0;
	s0 =	simm.s32 @!p2 $0x0  }
0x16: {  	s3 =	sld [smem:$0x3FDB];
	s0 =	simm.s32 @p2 $0x1  }
0x17: {  	s4 =	simm.s32 $0x1BF5;
	[smem:$0x3FB7] =	sst s0  }
0x18: {  	s0 =	sld [smem:$0x3F9A];
	_ =	swait.ge [sflag:s4], $0x0  }
0x19: {  	s7 =	sld [smem:$0x3F9B]  }
0x1a: {  	s8 =	sadd.s32 $0xFFFFE003, lr  }
0x1b: {  	s9 =	sadd.s32 $0xFFFFFEF7, lr;
	s5 =	simm.s32 $0xFFFFFFFF;
	p2 =	slt.u32 s8, $0xFFFFF086  }
0x1c: {  	p1 =	slt.u32 s9, $0xF7A;
	s5 =	simm.s32 @!p2 $0x0  }
0x1d: {  	s5 =	simm.s32 @p1 $0x1;
	p0 =	seq.s32 s7, s2  }
0x1e: {  	s7 =	smul.u32 @!p0 $0xF7A, s2;
	p2 =	seq.s32 @!p0 s5, $0x0  }
0x1f: {  	s9 =	smul.u32 $0xF7A, s1;
	s8 =	simm.s32 @!p0 $0x1BF5;
	p2 =	por !p2, p0  }
0x20: {  	[sflag:s8] =	ssyncset.s32 @!p0 $0xFFFFF086;
	s6 =	sadd.s32 @!p0 s3, s7;
	s7 =	simm.s32 @!p0 $0x108  }
0x21: {  	s3 =	sadd.s32 s3, s9;
	s6 =	sadd.s32 @!p0 $0x88, s6;
	s7 =	simm.s32 @p2 $0x1082  }
0x22: {  	[simem:s7], [sflag:s8] =	dma.local @!p0 [hbm:s6], $0xF7A  }
0x23: {  	s9 =	sor.u32 $0xD0000000, s2;
	s6 =	simm.s32 $0x108;
	_ =	swait.ge @!p0 [sflag:s8], $0x0  }
0x24: {  	s3 =	sadd.s32 $0x88, s3;
	s6 =	simm.s32 @!p1 $0x1082;
	[sflag:s4] =	ssyncset.s32 $0xFFFFF086  }
0x25: {  	[simem:s6], [sflag:s4] =	dma.local [hbm:s3], $0xF7A  }
0x26: {  	[smem:$0x3F9B] =	sst s1;
	(tag) =	ssettag s2;
	_ =	strace s9  }
0x27: {  	s1 =	sld [smem:$0x3FAB]  }
0x28: {  	s2 =	sld [smem:$0x3FAC]  }
0x29: {  	s4 =	sld [smem:$0x3FAE]  }
0x2a: {  	p0 =	seq.s32 s5, $0x0;
	s5 =	sld [smem:$0x3FAF]  }
0x2b: {  	s6 =	sld [smem:$0x3FB0]  }
0x2c: {  	s7 =	sld [smem:$0x3FB1]  }
0x2d: {  	s3 =	simm.s32 $0x108;
	s8 =	sld [smem:$0x3FB2]  }
0x2e: {  	s3 =	simm.s32 @!p0 $0x1082;
	s9 =	sld [smem:$0x3FB3]  }
0x2f: {  	lr =	sadd.s32 s0, s3;
	s0 =	sld [smem:$0x3FAA]  }
0x30: {  	s3 =	sld [smem:$0x3FAD]  }
0x31: {  	[smem:$0x3FB6] =	sst s10  }
0x32: {  	s10 =	sld [smem:$0x3FB4];
	_ =	sdelay $0x3  }
0x33: {  	p0 =	seq.s32 s10, $0x1;
	s10 =	sld [smem:$0x3FB6];
	_ =	sdelay $0x3  }
0x34: {  	[smem:$0x3FB6] =	sst s10  }
0x35: {  	s10 =	sld [smem:$0x3FB5];
	_ =	sdelay $0x3  }
0x36: {  	p1 =	seq.s32 s10, $0x1;
	s10 =	sld [smem:$0x3FB6];
	_ =	sdelay $0x3  }
0x37: {  	[smem:$0x3FB6] =	sst s10  }
0x38: {  	s10 =	sld [smem:$0x3FB7]  }
0x39: {  	_ = 	snop;
	(pc) =	sbr.ind lr, $3  }
0x3a: {  	_ = 	snop  }
0x3b: {  	_ = 	snop  }
0x3c: {  	p2 =	seq.s32 s10, $0x1;
	s10 =	sld [smem:$0x3FB6]  }
0x3d: {  	_ =	shalt  }
0x3e: {  	_ =	shalt  }
0x3f: {  	_ =	shalt  }
0x40: {  	_ =	shalt  }
0x41: {  	_ =	shalt  }
0x42: {  	_ =	shalt  }
0x43: {  	_ =	shalt  }
0x44: {  	_ =	shalt  }
0x45: {  	_ =	shalt  }
0x46: {  	_ =	shalt  }
0x47: {  	_ =	shalt  }
0x48: {  	_ =	shalt  }
0x49: {  	_ =	shalt  }
0x4a: {  	_ =	shalt  }
0x4b: {  	_ =	shalt  }
0x4c: {  	_ =	shalt  }
0x4d: {  	_ =	shalt  }
0x4e: {  	_ =	shalt  }
0x4f: {  	_ =	shalt  }
0x50: {  	_ =	shalt  }
0x51: {  	_ =	shalt  }
0x52: {  	_ =	shalt  }
0x53: {  	_ =	shalt  }
0x54: {  	_ =	shalt  }
0x55: {  	_ =	shalt  }
0x56: {  	_ =	shalt  }
0x57: {  	_ =	shalt  }
0x58: {  	_ =	shalt  }
0x59: {  	_ =	shalt  }
0x5a: {  	_ =	shalt  }
0x5b: {  	_ =	shalt  }
0x5c: {  	_ =	shalt  }
0x5d: {  	_ =	shalt  }
0x5e: {  	_ =	shalt  }
0x5f: {  	_ =	shalt  }
0x60: {  	_ =	shalt  }
0x61: {  	_ =	shalt  }
0x62: {  	_ =	shalt  }
0x63: {  	_ =	shalt  }
0x64: {  	_ =	shalt  }
0x65: {  	_ =	shalt  }
0x66: {  	_ =	shalt  }
0x67: {  	_ =	shalt  }
0x68: {  	_ =	shalt  }
0x69: {  	_ =	shalt  }
0x6a: {  	_ =	shalt  }
0x6b: {  	_ =	shalt  }
0x6c: {  	_ =	shalt  }
0x6d: {  	_ =	shalt  }
0x6e: {  	_ =	shalt  }
0x6f: {  	_ =	shalt  }
0x70: {  	_ =	shalt  }
0x71: {  	_ =	shalt  }
0x72: {  	_ =	shalt  }
0x73: {  	_ =	shalt  }
0x74: {  	_ =	shalt  }
0x75: {  	_ =	shalt  }
0x76: {  	_ =	shalt  }
0x77: {  	_ =	shalt  }
0x78: {  	_ =	shalt  }
0x79: {  	_ =	shalt  }
0x7a: {  	_ =	shalt  }
0x7b: {  	_ =	shalt  }
0x7c: {  	_ =	shalt  }
0x7d: {  	_ =	shalt  }
0x7e: {  	_ =	shalt  }
0x7f: {  	_ =	shalt  }
0x80: {  	_ =	shalt  }
0x81: {  	_ =	shalt  }
0x82: {  	_ =	shalt  }
0x83: {  	_ =	shalt  }
0x84: {  	_ =	shalt  }
0x85: {  	_ =	shalt  }
0x86: {  	_ =	shalt  }
0x87: {  	_ =	shalt  }
.Lfunc_end0:
.L_simem_size_0:
called_computation.1_lowered:
.L_overlay_start_0:
0x88: {  	s2 =	sld [smem:$0x3FD9]  }
0x89: {  	s3 =	sld [smem:$0x3FFE];
	_ =	sdelay $0x1  }
0x8a: {  	s1 =	srdreg.scid  }
0x8b: {  	s0 =	sand.u32 $0x1, s1  }
0x8c: {  	s16 =	sshll.u32 s0, $0xA;
	s2 =	sadd.s32 s3, s2  }
0x8d: {  	s2 =	sadd.s32 s2, s16  }
0x8e: {  	[smem:$0x3FC2] =	sst s2  }
0x8f: {  	_ = 	snop  }
0x90: {  	(tm) =	ssettm $0x1  }
0x91: {  	s17 =	sld [smem:$0x3FFB];
	_ =	sdelay $0x3  }
0x92: {  	_ =	strace s17  }
0x93: {  	s2 =	sld [smem:$0x3FFC];
	_ =	sdelay $0x3  }
0x94: {  	_ =	strace s2  }
0x95: {  	s2 =	sld [smem:$0x3FFD];
	_ =	sdelay $0x3  }
0x96: {  	_ =	strace s2  }
0x97: {  	_ =	strace $0x8FFFFFFF  }
0x98: {  	s18 =	sld [smem:$0x3FDB];
	_ =	sdelay $0x1  }
0x99: {  	s19 =	simm.s32 $_scs_section_size  }
0x9a: {  	s4 =	simm.s32 $_size__tile_overlayer_lowered;
	s5 =	simm.s32 $_tile_overlayer_lowered  }
0x9b: {  	s22 =	simm.s32 $0x1BFF;
	s21 =	sshll.u32 s5, $0x1;
	s2 =	sadd.s32 s19, s18  }
0x9c: {  	s6 =	simm.s32 $0x0;
	s20 =	sshll.u32 s4, $0x1;
	s4 =	sadd.s32 s21, s2  }
0x9d: {  	[timem:s6], [sflag:s22] =	dma.local [hbm:s4], s20  }
0x9e: {  	_ =	swait.ge [sflag:s22], s20  }
0x9f: {  	s3 =	ssub.s32 $0x0, s20;
	[sflag:s22] =	ssyncset.done $0x0  }
0xa0: {  	[sflag:s22] =	ssyncadd.s32 s3;
	_ =	sdelay $0x1  }
0xa1: {  	s23 =	simm.s32 $0x1B8B  }
0xa2: {  	_ =	swait.ge [sflag:s23], $0x1  }
0xa3: {  	[sflag:s23] =	ssyncset.done $0x0  }
0xa4: {  	s25 =	simm.s32 $0x1B8E;
	s24 =	sld [smem:$0x3FFE];
	[sflag:s23] =	ssyncadd.s32 $0xFFFFFFFF  }
0xa5: {  	s26 =	simm.s32 $execute0_lowered;
	[smem:$0x3FD2] =	sst s25  }
0xa6: {  	s4 =	sshll.u32 s26, $0x1;
	_ =	strace $0x80000049;
	[dreg:$0x1] =	wrdreg $0xFFFFFFFF  }
0xa7: {  	s28 =	simm.s32 $_size_execute0_lowered;
	s2 =	sadd.s32 s2, s4;
	[dreg:$0x0] =	wrdreg $0x0  }
0xa8: {  	s4 =	sshll.u32 s28, $0x1;
	[dreg:$0x2] =	wrdreg s2  }
0xa9: {  	[dreg:$0x3] =	wrdreg s4  }
0xaa: {  	[dreg:$0x4] =	wrdreg $0xC0  }
0xab: {  	_ =	task [dreg:s6], $0x5FFFF  }
0xac: {  	[dreg:$0x1] =	wrdreg $0xFFFFFFFF  }
0xad: {  	[dreg:$0x0] =	wrdreg $0x60  }
0xae: {  	[dreg:$0x2] =	wrdreg s24  }
0xaf: {  	[dreg:$0x3] =	wrdreg $0xA8000  }
0xb0: {  	[dreg:$0x4] =	wrdreg $0x9  }
0xb1: {  	_ =	task.clear_ibuf [dreg:s6], $0x5FFFF;
	_ =	strace $0x90000049  }
0xb2: {  	s29 =	simm.s32 $0x9;
	_ =	strace $0x8000004B  }
0xb3: {  	_ =	swait.ge [sflag:s29], $0x1  }
0xb4: {  	[sflag:s29] =	ssyncadd.s32 $0xFFFFFFFF  }
0xb5: {  	_ =	strace $0x9000004B  }
0xb6: {  	_ =	sfence  }
0xb7: {  	s30 =	sld [smem:$0x0];
	_ =	sdelay $0x2  }
0xb8: {  	s31 =	sshll.u32 s1, $0xD;
	s1 =	sshrl.u32 s1, $0x2  }
0xb9: {  	s3 =	sand.u32 $0x4000, s31;
	s1 =	sadd.s32 s1, s30  }
0xba: {  	s0 =	sor.u32 s3, s0;
	s1 =	sshll.u32 s1, $0x11  }
0xbb: {  	s0 =	sor.u32 s1, s0  }
0xbc: {  	s0 =	sadd.s32 $0x8F2B, s0  }
0xbd: {  	[sflag:s0] =	ssyncadd.remote.s32 $0x1  }
0xbe: {  	_ =	sfence.sel $0xFFFF  }
0xbf: {  	[dreg:$0x0] =	wrdreg $0xFFFFFFFF;
	(pc) =	sbr.abs _section_cstart, $3  }
0xc0: {  	[dreg:$0x1] =	wrdreg $0xFFFFFFFF  }
0xc1: {  	_ =	task.clear_ibuf [dreg:s6], $0x2FFFF;
	_ =	strace $0x9FFFFFFF  }
0xc2: {  	(tm) =	ssettm $0x7FFFFFFF  }
0xc3: {  	_ =	shalt  }
tec
execute0_lowered:
.L_overlay_start_1:
0x0: {  	(tag) =	ssettag $0x1  }
0x1: {  	s0 =	rddreg [dreg:$0x0]  }
0x2: {  	s1 =	srdreg.scid;
	s2 =	rddreg [dreg:$0x1]  }
0x3: {  	s12 =	stileid.u32;
	s3 =	simm.s32 $0x0;
	s18 =	simm.s32 $0x5  }
0x4: {  	s19 =	simm.s32 $0x1400;
	s20 =	simm.s32 $0x80;
	s21 =	simm.s32 $0x2800  }
0x5: {  	s22 =	simm.s32 $0x6800;
	s23 =	simm.s32 $0x1;
	s7 =	smul.u32 $0x2800, s12  }
0x6: {  	s24 =	simm.s32 $0x2;
	s25 =	simm.s32 $0x3;
	s8 =	smul.u32 $0x14000, s12  }
0x7: {  	s28 =	simm.s32 $0x2700;
	s1 =	sand.u32 $0x1, s1;
	s11 =	smul.u32 $0x50000, s12  }
0x8: {  	s29 =	simm.s32 $0x2780;
	[smem:$0x7FF] =	sst s3;
	s4 =	smul.u32 $0x28000, s1  }
0x9: {  	s15 =	sadd.s32 $0x2A00, s0;
	s30 =	sshll.u32 s12, $0x6;
	s5 =	smul.u32 $0x1400, s1  }
0xa: {  	_ =	strace $0x8000004A;
	s6 =	smul.u32 $0x140000, s1;
	s1 =	ssub.s32 $0x2, s1  }
0xb: {  	s9 =	sshrl.u32 s1, $0x1;
	s26 =	sshrl.u32 s11, $0x2;
	s31 =	sshrl.u32 s7, $0x3  }
0xc: {  	s4 =	sadd.s32 s7, s4;
	s5 =	sadd.s32 s5, s7;
	s6 =	sadd.s32 s8, s6  }
0xd: {  	s1 =	ssub.s32 s1, s9;
	s17 =	sadd.s32 s26, s2;
	s7 =	sor.u32 $0x1C05, s30  }
0xe: {  	s26 =	simm.s32 $0x4;
	s4 =	sshrl.u32 s4, $0x3;
	s14 =	sshrl.u32 s5, $0x3  }
0xf: {  	s5 =	sadd.s32 $0x5FA00, s0;
	s8 =	sshrl.u32 s6, $0x3;
	s6 =	sadd.s32 $0x8200, s0  }
0x10: {  	s16 =	smax.u32 s1, $0x1;
	s17 =	sshrl.u32 s17, $0x3;
	s1 =	simm.s32 $0x0  }
0x11: {  	s10 =	sadd.s32 s4, s0;
	s13 =	sadd.s32 s14, s0;
	s4 =	sadd.s32 $0xB9A00, s0  }
0x12: {  	s0 =	sadd.s32 s8, s0;
	s8 =	sadd.s32 s15, s31;
	s14 =	sadd.s32 s15, s14  }
0x13: {  	s9 =	sadd.s32 $0xAFA00, s10;
	s10 =	sadd.s32 $0xAFC80, s10;
	s12 =	sadd.s32 $0x109A00, s0  }
0x14: {  	s11 =	sadd.s32 $0x280, s8;
	s13 =	sadd.s32 $0x5AA00, s13;
	s15 =	sadd.s32 $0x159A00, s0  }
.LBB2_1:
0x15: {  	[spmem:s17], [sflag:s7] =	dma.local [hbm:s6], $0x2800  }
0x16: {  	_ =	swait.ge [sflag:s18], $0x2800  }
0x17: {  	[sflag:s18] =	ssyncset.done $0x0  }
0x18: {  	[sflag:s18] =	ssyncadd.s32 $0xFFFFD800  }
0x19: {  	[bflag:$0x0] =	sbarrier.arrive $0xFFFF  }
0x1a: {  	[tilespmem:s3], [sflag:$0x5] =	stream.linear.gather [hbm4b:s9+s3], $0x1400, $0x38;
	[tilespmem:$0x1E800] =	vst v63  }
0x1b: {  	_ =	swait.ge [sflag:s18], $0x1400  }
0x1c: {  	[sflag:s18] =	ssyncset.done $0x0  }
0x1d: {  	[sflag:s18] =	ssyncadd.s32 $0xFFFFEC00  }
0x1e: {  	[tilespmem:s19], [sflag:$0x5] =	stream.linear.gather [hbm4b:s8+s3], $0x1400, $0x38;
	[tilespmem:$0x1E800] =	vst v63  }
0x1f: {  	_ =	swait.ge [sflag:s18], $0x1400  }
0x20: {  	[sflag:s18] =	ssyncset.done $0x0  }
0x21: {  	[sflag:s18] =	ssyncadd.s32 $0xFFFFEC00  }
0x22: {  	[tilespmem:s21], [sflag:$0x1] =	stream.indirect.gather [hbm4b:s4+s20], $0x80, s3, s20, $0xb8;
	[tilespmem:$0x1E800] =	vst v63  }
0x23: {  	_ = 	snop  }
0x24: {  	[tilespmem:s22], [sflag:$0x2] =	stream.indirect.gather [hbm4b:s4+s20], $0x80, s20, s20, $0xb8;
	[tilespmem:$0x1E800] =	vst v63  }
0x25: {  	_ =	swait.ge [sflag:s23], $0x4000  }
0x26: {  	[sflag:s23] =	ssyncset.done $0x0  }
0x27: {  	s30 =	simm.s32 $0x1400;
	[sflag:s23] =	ssyncadd.s32 $0xFFFFC000  }
0x28: {  	[spmem:s2] =	stream.indirect.scatter.add.f32 [tilespmem:s21], [sflag:$0x3], $0x80, s30, s20, $0xb8;
	[tilespmem:$0x1E800] =	vst v63  }
0x29: {  	_ =	swait.ge [sflag:s24], $0x4000  }
0x2a: {  	[sflag:s24] =	ssyncset.done $0x0  }
0x2b: {  	[sflag:s24] =	ssyncadd.s32 $0xFFFFC000  }
0x2c: {  	_ =	swait.ge [sflag:s25], $0x4000  }
0x2d: {  	[sflag:s25] =	ssyncset.done $0x0  }
0x2e: {  	s30 =	simm.s32 $0x1480;
	[sflag:s25] =	ssyncadd.s32 $0xFFFFC000  }
0x2f: {  	[spmem:s2] =	stream.indirect.scatter.add.f32 [tilespmem:s22], [sflag:$0x4], $0x80, s30, s20, $0xb8;
	[tilespmem:$0x1E800] =	vst v63  }
0x30: {  	s30 =	simm.s32 $0x100  }
0x31: {  	[tilespmem:s21], [sflag:$0x1] =	stream.indirect.gather [hbm4b:s4+s20], $0x80, s30, s20, $0xb8;
	[tilespmem:$0x1E800] =	vst v63  }
0x32: {  	_ =	swait.ge [sflag:s26], $0x4000  }
0x33: {  	[sflag:s26] =	ssyncset.done $0x0  }
0x34: {  	s31 =	simm.s32 $0x180;
	s30 =	simm.s32 $0x400;
	[sflag:s26] =	ssyncadd.s32 $0xFFFFC000  }
.LBB2_2:
0x35: {  	[tilespmem:s22], [sflag:$0x2] =	stream.indirect.gather [hbm4b:s4+s20], $0x80, s31, s20, $0xb8;
	[tilespmem:$0x1E800] =	vst v63  }
0x36: {  	s31 =	smov.u32 s30  }
0x37: {  	p0 =	sne.s32 s30, $0x4800;
	s30 =	sadd.s32 $0x400, s30;
	_ =	swait.ge [sflag:s23], $0x4000  }
0x38: {  	s31 =	sshra.s32 s31, $0x2;
	[sflag:s23] =	ssyncset.done $0x0  }
0x39: {  	s0 =	sadd.s32 $0x1400, s31;
	[sflag:s23] =	ssyncadd.s32 $0xFFFFC000  }
0x3a: {  	[spmem:s2] =	stream.indirect.scatter.add.f32 [tilespmem:s21], [sflag:$0x3], $0x80, s0, s20, $0xb8;
	[tilespmem:$0x1E800] =	vst v63  }
0x3b: {  	_ =	swait.ge [sflag:s24], $0x4000  }
0x3c: {  	[sflag:s24] =	ssyncset.done $0x0  }
0x3d: {  	[sflag:s24] =	ssyncadd.s32 $0xFFFFC000  }
0x3e: {  	_ =	swait.ge [sflag:s25], $0x4000  }
0x3f: {  	[sflag:s25] =	ssyncset.done $0x0  }
0x40: {  	s0 =	sadd.s32 $0x1480, s31;
	[sflag:s25] =	ssyncadd.s32 $0xFFFFC000  }
0x41: {  	[spmem:s2] =	stream.indirect.scatter.add.f32 [tilespmem:s22], [sflag:$0x4], $0x80, s0, s20, $0xb8;
	[tilespmem:$0x1E800] =	vst v63  }
.Ltmp0:
0x42: {  	s0 =	sadd.s32 $0x100, s31;
	(pc) =	sbr.rel @p0 .LBB2_2-.Ltmp0, $4  }
0x43: {  	[tilespmem:s21], [sflag:$0x1] =	stream.indirect.gather [hbm4b:s4+s20], $0x80, s0, s20, $0xb8;
	[tilespmem:$0x1E800] =	vst v63  }
0x44: {  	_ =	swait.ge [sflag:s26], $0x4000  }
0x45: {  	[sflag:s26] =	ssyncset.done $0x0  }
0x46: {  	s31 =	sadd.s32 $0x180, s31;
	[sflag:s26] =	ssyncadd.s32 $0xFFFFC000  }
0x47: {  	[tilespmem:s22], [sflag:$0x2] =	stream.indirect.gather [hbm4b:s4+s20], $0x80, s31, s20, $0xb8;
	[tilespmem:$0x1E800] =	vst v63  }
0x48: {  	_ =	swait.ge [sflag:s23], $0x4000  }
0x49: {  	[sflag:s23] =	ssyncset.done $0x0  }
0x4a: {  	[sflag:s23] =	ssyncadd.s32 $0xFFFFC000  }
0x4b: {  	[spmem:s2] =	stream.indirect.scatter.add.f32 [tilespmem:s21], [sflag:$0x3], $0x80, s28, s20, $0xb8;
	[tilespmem:$0x1E800] =	vst v63  }
0x4c: {  	_ =	swait.ge [sflag:s24], $0x4000  }
0x4d: {  	[sflag:s24] =	ssyncset.done $0x0  }
0x4e: {  	[sflag:s24] =	ssyncadd.s32 $0xFFFFC000  }
0x4f: {  	_ =	swait.ge [sflag:s25], $0x4000  }
0x50: {  	[sflag:s25] =	ssyncset.done $0x0  }
0x51: {  	[sflag:s25] =	ssyncadd.s32 $0xFFFFC000  }
0x52: {  	[spmem:s2] =	stream.indirect.scatter.add.f32 [tilespmem:s22], [sflag:$0x4], $0x80, s29, s20, $0xb8;
	[tilespmem:$0x1E800] =	vst v63  }
0x53: {  	_ =	swait.ge [sflag:s26], $0x4000  }
0x54: {  	[sflag:s26] =	ssyncset.done $0x0  }
0x55: {  	s0 =	simm.s32 $0x0;
	[sflag:s26] =	ssyncadd.s32 $0xFFFFC000  }
0x56: {  	[tilespmem:s0], [sflag:$0x5] =	stream.linear.gather [hbm4b:s10+s0], $0x1400, $0x38;
	[tilespmem:$0x1E800] =	vst v63  }
0x57: {  	_ =	swait.ge [sflag:s18], $0x1400  }
0x58: {  	[sflag:s18] =	ssyncset.done $0x0  }
0x59: {  	[sflag:s18] =	ssyncadd.s32 $0xFFFFEC00  }
0x5a: {  	[tilespmem:s19], [sflag:$0x5] =	stream.linear.gather [hbm4b:s11+s0], $0x1400, $0x38;
	[tilespmem:$0x1E800] =	vst v63  }
0x5b: {  	_ =	swait.ge [sflag:s18], $0x1400  }
0x5c: {  	[sflag:s18] =	ssyncset.done $0x0  }
0x5d: {  	[sflag:s18] =	ssyncadd.s32 $0xFFFFEC00  }
0x5e: {  	[tilespmem:s21], [sflag:$0x1] =	stream.indirect.gather [hbm4b:s4+s20], $0x80, s0, s20, $0xb8;
	[tilespmem:$0x1E800] =	vst v63  }
0x5f: {  	_ = 	snop  }
0x60: {  	[tilespmem:s22], [sflag:$0x2] =	stream.indirect.gather [hbm4b:s4+s20], $0x80, s20, s20, $0xb8;
	[tilespmem:$0x1E800] =	vst v63  }
0x61: {  	_ =	swait.ge [sflag:s23], $0x4000  }
0x62: {  	[sflag:s23] =	ssyncset.done $0x0  }
0x63: {  	s0 =	simm.s32 $0x1400;
	[sflag:s23] =	ssyncadd.s32 $0xFFFFC000  }
0x64: {  	[spmem:s2] =	stream.indirect.scatter.add.f32 [tilespmem:s21], [sflag:$0x3], $0x80, s0, s20, $0xb8;
	[tilespmem:$0x1E800] =	vst v63  }
0x65: {  	_ =	swait.ge [sflag:s24], $0x4000  }
0x66: {  	[sflag:s24] =	ssyncset.done $0x0  }
0x67: {  	[sflag:s24] =	ssyncadd.s32 $0xFFFFC000  }
0x68: {  	_ =	swait.ge [sflag:s25], $0x4000  }
0x69: {  	[sflag:s25] =	ssyncset.done $0x0  }
0x6a: {  	s0 =	simm.s32 $0x1480;
	[sflag:s25] =	ssyncadd.s32 $0xFFFFC000  }
0x6b: {  	[spmem:s2] =	stream.indirect.scatter.add.f32 [tilespmem:s22], [sflag:$0x4], $0x80, s0, s20, $0xb8;
	[tilespmem:$0x1E800] =	vst v63  }
0x6c: {  	s0 =	simm.s32 $0x100  }
0x6d: {  	[tilespmem:s21], [sflag:$0x1] =	stream.indirect.gather [hbm4b:s4+s20], $0x80, s0, s20, $0xb8;
	[tilespmem:$0x1E800] =	vst v63  }
0x6e: {  	_ =	swait.ge [sflag:s26], $0x4000  }
0x6f: {  	[sflag:s26] =	ssyncset.done $0x0  }
0x70: {  	s30 =	simm.s32 $0x400;
	s31 =	simm.s32 $0x180;
	[sflag:s26] =	ssyncadd.s32 $0xFFFFC000  }
.LBB2_4:
0x71: {  	[tilespmem:s22], [sflag:$0x2] =	stream.indirect.gather [hbm4b:s4+s20], $0x80, s31, s20, $0xb8;
	[tilespmem:$0x1E800] =	vst v63  }
0x72: {  	s0 =	smov.u32 s30  }
0x73: {  	p0 =	sne.s32 s30, $0x4800;
	s30 =	sadd.s32 $0x400, s30;
	_ =	swait.ge [sflag:s23], $0x4000  }
0x74: {  	s0 =	sshra.s32 s0, $0x2;
	[sflag:s23] =	ssyncset.done $0x0  }
0x75: {  	s31 =	sadd.s32 $0x1400, s0;
	[sflag:s23] =	ssyncadd.s32 $0xFFFFC000  }
0x76: {  	[spmem:s2] =	stream.indirect.scatter.add.f32 [tilespmem:s21], [sflag:$0x3], $0x80, s31, s20, $0xb8;
	[tilespmem:$0x1E800] =	vst v63  }
0x77: {  	_ =	swait.ge [sflag:s24], $0x4000  }
0x78: {  	[sflag:s24] =	ssyncset.done $0x0  }
0x79: {  	[sflag:s24] =	ssyncadd.s32 $0xFFFFC000  }
0x7a: {  	_ =	swait.ge [sflag:s25], $0x4000  }
0x7b: {  	[sflag:s25] =	ssyncset.done $0x0  }
0x7c: {  	s31 =	sadd.s32 $0x1480, s0;
	[sflag:s25] =	ssyncadd.s32 $0xFFFFC000  }
0x7d: {  	[spmem:s2] =	stream.indirect.scatter.add.f32 [tilespmem:s22], [sflag:$0x4], $0x80, s31, s20, $0xb8;
	[tilespmem:$0x1E800] =	vst v63  }
.Ltmp1:
0x7e: {  	s31 =	sadd.s32 $0x100, s0;
	(pc) =	sbr.rel @p0 .LBB2_4-.Ltmp1, $4  }
0x7f: {  	[tilespmem:s21], [sflag:$0x1] =	stream.indirect.gather [hbm4b:s4+s20], $0x80, s31, s20, $0xb8;
	[tilespmem:$0x1E800] =	vst v63  }
0x80: {  	_ =	swait.ge [sflag:s26], $0x4000  }
0x81: {  	[sflag:s26] =	ssyncset.done $0x0  }
0x82: {  	s31 =	sadd.s32 $0x180, s0;
	[sflag:s26] =	ssyncadd.s32 $0xFFFFC000  }
0x83: {  	[tilespmem:s22], [sflag:$0x2] =	stream.indirect.gather [hbm4b:s4+s20], $0x80, s31, s20, $0xb8;
	[tilespmem:$0x1E800] =	vst v63  }
0x84: {  	_ =	swait.ge [sflag:s23], $0x4000  }
0x85: {  	[sflag:s23] =	ssyncset.done $0x0  }
0x86: {  	[sflag:s23] =	ssyncadd.s32 $0xFFFFC000  }
0x87: {  	[spmem:s2] =	stream.indirect.scatter.add.f32 [tilespmem:s21], [sflag:$0x3], $0x80, s28, s20, $0xb8;
	[tilespmem:$0x1E800] =	vst v63  }
0x88: {  	_ =	swait.ge [sflag:s24], $0x4000  }
0x89: {  	[sflag:s24] =	ssyncset.done $0x0  }
0x8a: {  	[sflag:s24] =	ssyncadd.s32 $0xFFFFC000  }
0x8b: {  	_ =	swait.ge [sflag:s25], $0x4000  }
0x8c: {  	[sflag:s25] =	ssyncset.done $0x0  }
0x8d: {  	[sflag:s25] =	ssyncadd.s32 $0xFFFFC000  }
0x8e: {  	[spmem:s2] =	stream.indirect.scatter.add.f32 [tilespmem:s22], [sflag:$0x4], $0x80, s29, s20, $0xb8;
	[tilespmem:$0x1E800] =	vst v63  }
0x8f: {  	_ =	swait.ge [sflag:s26], $0x4000  }
0x90: {  	[sflag:s26] =	ssyncset.done $0x0  }
0x91: {  	[sflag:s26] =	ssyncadd.s32 $0xFFFFC000  }
0x92: {  	[bflag:$0x0] =	sbarrier.arrive $0xFFFF  }
0x93: {  	[hbm:s12], [sflag:s7] =	dma.local [spmem:s17], $0x2800  }
0x94: {  	_ =	swait.ge [sflag:s18], $0x2800  }
0x95: {  	[sflag:s18] =	ssyncset.done $0x0  }
0x96: {  	[sflag:s18] =	ssyncadd.s32 $0xFFFFD800  }
0x97: {  	[spmem:s17], [sflag:s7] =	dma.local [hbm:s6], $0x2800  }
0x98: {  	_ =	swait.ge [sflag:s18], $0x2800  }
0x99: {  	[sflag:s18] =	ssyncset.done $0x0  }
0x9a: {  	[sflag:s18] =	ssyncadd.s32 $0xFFFFD800  }
0x9b: {  	s0 =	simm.s32 $0x0;
	[bflag:$0x0] =	sbarrier.arrive $0xFFFF  }
0x9c: {  	[tilespmem:s0], [sflag:$0x5] =	stream.linear.gather [hbm4b:s13+s0], $0x1400, $0x38;
	[tilespmem:$0x1E800] =	vst v63  }
0x9d: {  	_ =	swait.ge [sflag:s18], $0x1400  }
0x9e: {  	[sflag:s18] =	ssyncset.done $0x0  }
0x9f: {  	[sflag:s18] =	ssyncadd.s32 $0xFFFFEC00  }
0xa0: {  	[tilespmem:s19], [sflag:$0x5] =	stream.linear.gather [hbm4b:s14+s0], $0x1400, $0x38;
	[tilespmem:$0x1E800] =	vst v63  }
0xa1: {  	_ =	swait.ge [sflag:s18], $0x1400  }
0xa2: {  	[sflag:s18] =	ssyncset.done $0x0  }
0xa3: {  	[sflag:s18] =	ssyncadd.s32 $0xFFFFEC00  }
0xa4: {  	[tilespmem:s21], [sflag:$0x1] =	stream.indirect.gather [hbm4b:s5+s20], $0x80, s19, s20, $0xb8;
	[tilespmem:$0x1E800] =	vst v63  }
0xa5: {  	s0 =	simm.s32 $0x1480  }
0xa6: {  	[tilespmem:s22], [sflag:$0x2] =	stream.indirect.gather [hbm4b:s5+s20], $0x80, s0, s20, $0xb8;
	[tilespmem:$0x1E800] =	vst v63  }
0xa7: {  	_ =	swait.ge [sflag:s23], $0x4000  }
0xa8: {  	[sflag:s23] =	ssyncset.done $0x0  }
0xa9: {  	s0 =	simm.s32 $0x0;
	[sflag:s23] =	ssyncadd.s32 $0xFFFFC000  }
0xaa: {  	[spmem:s2] =	stream.indirect.scatter.add.f32 [tilespmem:s21], [sflag:$0x3], $0x80, s0, s20, $0xb8;
	[tilespmem:$0x1E800] =	vst v63  }
0xab: {  	_ =	swait.ge [sflag:s24], $0x4000  }
0xac: {  	[sflag:s24] =	ssyncset.done $0x0  }
0xad: {  	[sflag:s24] =	ssyncadd.s32 $0xFFFFC000  }
0xae: {  	_ =	swait.ge [sflag:s25], $0x4000  }
0xaf: {  	[sflag:s25] =	ssyncset.done $0x0  }
0xb0: {  	s0 =	simm.s32 $0x80;
	[sflag:s25] =	ssyncadd.s32 $0xFFFFC000  }
0xb1: {  	[spmem:s2] =	stream.indirect.scatter.add.f32 [tilespmem:s22], [sflag:$0x4], $0x80, s0, s20, $0xb8;
	[tilespmem:$0x1E800] =	vst v63  }
0xb2: {  	s0 =	simm.s32 $0x1500  }
0xb3: {  	[tilespmem:s21], [sflag:$0x1] =	stream.indirect.gather [hbm4b:s5+s20], $0x80, s0, s20, $0xb8;
	[tilespmem:$0x1E800] =	vst v63  }
0xb4: {  	_ =	swait.ge [sflag:s26], $0x4000  }
0xb5: {  	[sflag:s26] =	ssyncset.done $0x0  }
0xb6: {  	s30 =	simm.s32 $0x400;
	s31 =	simm.s32 $0x1580;
	[sflag:s26] =	ssyncadd.s32 $0xFFFFC000  }
.LBB2_6:
0xb7: {  	[tilespmem:s22], [sflag:$0x2] =	stream.indirect.gather [hbm4b:s5+s20], $0x80, s31, s20, $0xb8;
	[tilespmem:$0x1E800] =	vst v63  }
0xb8: {  	s0 =	smov.u32 s30  }
0xb9: {  	p0 =	sne.s32 s30, $0x4800;
	s30 =	sadd.s32 $0x400, s30;
	_ =	swait.ge [sflag:s23], $0x4000  }
0xba: {  	[sflag:s23] =	ssyncset.done $0x0  }
0xbb: {  	s0 =	sshra.s32 s0, $0x2;
	[sflag:s23] =	ssyncadd.s32 $0xFFFFC000  }
0xbc: {  	[spmem:s2] =	stream.indirect.scatter.add.f32 [tilespmem:s21], [sflag:$0x3], $0x80, s0, s20, $0xb8;
	[tilespmem:$0x1E800] =	vst v63  }
0xbd: {  	_ =	swait.ge [sflag:s24], $0x4000  }
0xbe: {  	[sflag:s24] =	ssyncset.done $0x0  }
0xbf: {  	[sflag:s24] =	ssyncadd.s32 $0xFFFFC000  }
0xc0: {  	_ =	swait.ge [sflag:s25], $0x4000  }
0xc1: {  	[sflag:s25] =	ssyncset.done $0x0  }
0xc2: {  	s31 =	sadd.s32 $0x80, s0;
	[sflag:s25] =	ssyncadd.s32 $0xFFFFC000  }
0xc3: {  	[spmem:s2] =	stream.indirect.scatter.add.f32 [tilespmem:s22], [sflag:$0x4], $0x80, s31, s20, $0xb8;
	[tilespmem:$0x1E800] =	vst v63  }
.Ltmp2:
0xc4: {  	s31 =	sadd.s32 $0x1500, s0;
	(pc) =	sbr.rel @p0 .LBB2_6-.Ltmp2, $4  }
0xc5: {  	[tilespmem:s21], [sflag:$0x1] =	stream.indirect.gather [hbm4b:s5+s20], $0x80, s31, s20, $0xb8;
	[tilespmem:$0x1E800] =	vst v63  }
0xc6: {  	_ =	swait.ge [sflag:s26], $0x4000  }
0xc7: {  	[sflag:s26] =	ssyncset.done $0x0  }
0xc8: {  	s31 =	sadd.s32 $0x1580, s0;
	[sflag:s26] =	ssyncadd.s32 $0xFFFFC000  }
0xc9: {  	[tilespmem:s22], [sflag:$0x2] =	stream.indirect.gather [hbm4b:s5+s20], $0x80, s31, s20, $0xb8;
	[tilespmem:$0x1E800] =	vst v63  }
0xca: {  	_ =	swait.ge [sflag:s23], $0x4000  }
0xcb: {  	[sflag:s23] =	ssyncset.done $0x0  }
0xcc: {  	s0 =	simm.s32 $0x1300;
	[sflag:s23] =	ssyncadd.s32 $0xFFFFC000  }
0xcd: {  	[spmem:s2] =	stream.indirect.scatter.add.f32 [tilespmem:s21], [sflag:$0x3], $0x80, s0, s20, $0xb8;
	[tilespmem:$0x1E800] =	vst v63  }
0xce: {  	_ =	swait.ge [sflag:s24], $0x4000  }
0xcf: {  	[sflag:s24] =	ssyncset.done $0x0  }
0xd0: {  	[sflag:s24] =	ssyncadd.s32 $0xFFFFC000  }
0xd1: {  	_ =	swait.ge [sflag:s25], $0x4000  }
0xd2: {  	[sflag:s25] =	ssyncset.done $0x0  }
0xd3: {  	s31 =	simm.s32 $0x1380;
	[sflag:s25] =	ssyncadd.s32 $0xFFFFC000  }
0xd4: {  	[spmem:s2] =	stream.indirect.scatter.add.f32 [tilespmem:s22], [sflag:$0x4], $0x80, s31, s20, $0xb8;
	[tilespmem:$0x1E800] =	vst v63  }
0xd5: {  	_ =	swait.ge [sflag:s26], $0x4000  }
0xd6: {  	s1 =	sadd.s32 $0x1, s1;
	[sflag:s26] =	ssyncset.done $0x0  }
0xd7: {  	p0 =	sne.s32 s1, s16;
	[sflag:s26] =	ssyncadd.s32 $0xFFFFC000  }
.Ltmp3:
0xd8: {  	[bflag:$0x0] =	sbarrier.arrive $0xFFFF;
	(pc) =	sbr.rel @p0 .LBB2_1-.Ltmp3, $4  }
0xd9: {  	[hbm:s15], [sflag:s7] =	dma.local [spmem:s17], $0x2800  }
0xda: {  	_ =	swait.ge [sflag:s18], $0x2800  }
0xdb: {  	[sflag:s18] =	ssyncset.done $0x0  }
0xdc: {  	[sflag:s18] =	ssyncadd.s32 $0xFFFFD800  }
0xdd: {  	_ =	sfence.sel $0x180000  }
0xde: {  	[bflag:$0x0] =	sbarrier.arrive $0xFFFF  }
0xdf: {  	_ =	strace $0x9000004A  }
0xe0: {  	s0 =	stileid.u32;
	[bflag:$0x2] =	sbarrier.arrive $0xFFFF  }
0xe1: {  	p0 =	sne.s32 s0, $0x0;
	s0 =	rddreg [dreg:$0x2]  }
0xe2: {  	s0 =	sadd.s32 @!p0 $0x100000, s0  }
0xe3: {  	[sflag:s0] =	ssyncadd.tile.s32 @!p0 $0x1;
	_ =	shalt  }
.Lfunc_end2:
_tile_overlayer_lowered:
.L_overlay_start_2:
0xe4: {  	(tag) =	ssettag $0x2  }
0xe5: {  	s0 =	rddreg [dreg:$0x0];
	s2 =	stileid.u32  }
0xe6: {  	s1 =	rddreg [dreg:$0x1];
	p0 =	sne.s32 s2, $0x0  }
0xe7: {  	s3 =	rddreg [dreg:$0x2];
	[bflag:$0x3] =	sbarrier.arrive $0xFFFF;
	s2 =	simm.s32 @!p0 $0x1C05  }
0xe8: {  	[timem:s3], [sflag:s2] =	dma.local @!p0 [hbm:s0], s1  }
0xe9: {  	s0 =	simm.s32 @!p0 $0x5  }
0xea: {  	_ =	swait.ge @!p0 [sflag:s0], s1  }
0xeb: {  	s1 =	ssub.s32 @!p0 $0x0, s1;
	[sflag:s0] =	ssyncset.done @!p0 $0x0  }
0xec: {  	[sflag:s0] =	ssyncadd.s32 @!p0 s1  }
0xed: {  	[bflag:$0x3] =	sbarrier.arrive $0xFFFF  }
0xee: {  	_ =	shalt  }

</sc_bundles>
